<compile_context>
chip_gen: v7x
topology: tpu7x:2x2x1
jax: 0.10.2.dev20260603
libtpu: 0.0.44.dev20260713+nightly
codegen_flags: <defaults>
</compile_context>

<pallas_src>
import functools

import jax
import jax.numpy as jnp
from jax import lax
from jax.experimental import pallas as pl
from jax.experimental.pallas import tpu as pltpu
from jax.experimental.pallas import tpu_sc as plsc

BATCH = 4096
D = 128
L = 16


def _build():
    info = plsc.get_sparse_core_info()
    nc, ns = info.num_cores, info.num_subcores
    nw = nc * ns
    bpw = BATCH // nw
    mesh = plsc.VectorSubcoreMesh(core_axis_name="c", subcore_axis_name="s")

    @functools.partial(
        pl.kernel,
        mesh=mesh,
        compiler_params=pltpu.CompilerParams(
            needs_layout_passes=False,
            disable_bounds_checks=True,
            disable_semaphore_checks=True,
            skip_device_barrier=True,
        ),
        out_type=jax.ShapeDtypeStruct((BATCH,), jnp.float32),
        scratch_types=[
            pltpu.VMEM((bpw,), jnp.int32),
            pltpu.VMEM((bpw,), jnp.int32),
            pltpu.VMEM((bpw, D), jnp.float32),
            pltpu.VMEM((bpw, D), jnp.float32),
            pltpu.VMEM((bpw,), jnp.float32),
            [pltpu.SemaphoreType.DMA] * (bpw // L + 1),
        ],
    )
    def scores_kernel(uid_hbm, iid_hbm, ut_hbm, it_hbm, out_hbm,
                      uidx_v, iidx_v, urows_v, irows_v, out_v, sems):
        wid = lax.axis_index("s") * nc + lax.axis_index("c")
        base = wid * bpw
        rpb = L
        nb = bpw // rpb
        cid0 = pltpu.async_copy(uid_hbm.at[pl.ds(base, bpw)], uidx_v, sems[nb])
        cid1 = pltpu.async_copy(iid_hbm.at[pl.ds(base, bpw)], iidx_v, sems[nb])
        cid0.wait()
        cid1.wait()
        copies = []
        for k in range(nb):
            sl = pl.ds(k * rpb, rpb)
            cu = pltpu.async_copy(ut_hbm.at[uidx_v.at[sl]], urows_v.at[sl], sems[k])
            ci = pltpu.async_copy(it_hbm.at[iidx_v.at[sl]], irows_v.at[sl], sems[k])
            copies.append((cu, ci))

        lanes = lax.iota(jnp.int32, L)
        masks = [(lanes & (1 << t)) != 0 for t in range(4)]

        keys = [plsc.bitcast(lanes ^ (1 << t), jnp.uint32) for t in range(4)]

        def group(g):
            accs = []
            for j in range(L):
                b = g * L + j
                ts = [urows_v[b, pl.ds(c * L, L)] * irows_v[b, pl.ds(c * L, L)]
                      for c in range(D // L)]
                while len(ts) > 1:
                    ts = [ts[2 * i] + ts[2 * i + 1] for i in range(len(ts) // 2)]
                accs.append(ts[0])
            vecs = accs
            for t in range(4):
                m, key = masks[t], keys[t]
                nxt = []
                for p in range(len(vecs) // 2):
                    a, b2 = vecs[2 * p], vecs[2 * p + 1]
                    x = jnp.where(m, b2, a)
                    y = jnp.where(m, a, b2)
                    _, yx = plsc.sort_key_val(key, y)
                    nxt.append(x + yx)
                vecs = nxt
            out_v[pl.ds(g * L, L)] = vecs[0]

        gpb = rpb // L
        def step(g, carry):
            for kk in range(nb):
                @pl.when(g == gpb * kk)
                def _(kk=kk):
                    copies[kk][0].wait()
                    copies[kk][1].wait()
            group(g)
            return carry

        lax.fori_loop(0, bpw // L, step, 0)
        pltpu.sync_copy(out_v, out_hbm.at[pl.ds(base, bpw)])

    return scores_kernel


_scores = _build()


def kernel(user_id, user_features, item_id, item_features, position,
           user_table, item_table):
    del user_features, item_features, position
    return _scores(user_id, item_id, user_table, item_table)

# --- scband reference (transcript-rebuilt; emitter-appended) ---
"""Pipeline reference for scband-two-tower-base-retrieval-26225070309528 (READ-ONLY COPY).

The authoritative reference and input builder live on the scoring server;
editing this copy changes nothing except your own understanding.
"""

import jax, jax.numpy as jnp
import numpy as np

USER_VOCAB = 1000000
ITEM_VOCAB = 100000
DU = 128
DI = 128
BATCH = 4096


def setup_inputs(seed: int = 0) -> dict:
    key = jax.random.key(seed)
    ks = jax.random.split(key, 7)
    user_id = jax.random.randint(ks[0], (BATCH,), 0, USER_VOCAB, dtype=jnp.int64 if jax.config.jax_enable_x64 else jnp.int32).astype(jnp.int32)
    user_features = jax.random.normal(ks[1], (BATCH, 256), dtype=jnp.float32)
    item_id = jax.random.randint(ks[2], (BATCH,), 0, ITEM_VOCAB).astype(jnp.int32)
    item_features = jax.random.normal(ks[3], (BATCH, 128), dtype=jnp.float32)
    position = jax.random.randint(ks[4], (BATCH,), 0, 50).astype(jnp.int32)
    user_table = jax.random.normal(ks[5], (USER_VOCAB, DU), dtype=jnp.float32) * 0.02
    item_table = jax.random.normal(ks[6], (ITEM_VOCAB, DI), dtype=jnp.float32) * 0.02
    return {
        "user_id": user_id,
        "user_features": user_features,
        "item_id": item_id,
        "item_features": item_features,
        "position": position,
        "user_table": user_table,
        "item_table": item_table,
    }


def reference(user_id, user_features, item_id, item_features, position, user_table, item_table):
    # Two-tower retrieval: embedding lookup per tower, dot-product score.
    # user_id_embedding_arch / item_id_embedding_arch lookups.
    user_emb = jnp.take(user_table, user_id, axis=0)   # [B, DU]
    item_emb = jnp.take(item_table, item_id, axis=0)   # [B, DI]
    scores = jnp.sum(user_emb * item_emb, axis=-1)     # [B]
    return scores

if __name__ == "__main__":
    import jax
    _d = setup_inputs()
    print(jax.jit(kernel)(*tuple(_d.values())))

</pallas_src>

<mosaic_0001>
#map = affine_map<(d0, d1) -> (0)>
#map1 = affine_map<(d0, d1) -> (0, 0)>
module attributes {stable_mosaic.version = 14 : i64} {
  func.func @scores_kernel(%arg0: i32, %arg1: i32, %arg2: memref<4096xi32, #tpu.memory_space<hbm>>, %arg3: memref<4096xi32, #tpu.memory_space<hbm>>, %arg4: memref<1000000x128xf32, #tpu.memory_space<hbm>>, %arg5: memref<100000x128xf32, #tpu.memory_space<hbm>>, %arg6: memref<4096xf32, #tpu.memory_space<hbm>>, %arg7: memref<128xi32, #tpu.memory_space<vmem>>, %arg8: memref<128xi32, #tpu.memory_space<vmem>>, %arg9: memref<128x128xf32, #tpu.memory_space<vmem>>, %arg10: memref<128x128xf32, #tpu.memory_space<vmem>>, %arg11: memref<128xf32, #tpu.memory_space<vmem>>, %arg12: memref<!tpu.dma_semaphore, #tpu.memory_space<semaphore_mem>>, %arg13: memref<!tpu.dma_semaphore, #tpu.memory_space<semaphore_mem>>, %arg14: memref<!tpu.dma_semaphore, #tpu.memory_space<semaphore_mem>>, %arg15: memref<!tpu.dma_semaphore, #tpu.memory_space<semaphore_mem>>, %arg16: memref<!tpu.dma_semaphore, #tpu.memory_space<semaphore_mem>>, %arg17: memref<!tpu.dma_semaphore, #tpu.memory_space<semaphore_mem>>, %arg18: memref<!tpu.dma_semaphore, #tpu.memory_space<semaphore_mem>>, %arg19: memref<!tpu.dma_semaphore, #tpu.memory_space<semaphore_mem>>, %arg20: memref<!tpu.dma_semaphore, #tpu.memory_space<semaphore_mem>>) attributes {dimension_semantics = [#tpu.dimension_semantics<core_parallel>, #tpu.dimension_semantics<subcore_parallel>], iteration_bounds = array<i64: 2, 16>, scalar_prefetch = 0 : i64, scratch_operands = 14 : i64, tpu.core_type = #tpu.core_type<sc_vector_subcore>, window_params = [{transform_indices = #map}, {transform_indices = #map}, {transform_indices = #map1}, {transform_indices = #map1}, {transform_indices = #map}]} {
    %mul3A = arith.constant 2 : i32
    %mul3A_0 = arith.muli %arg1, %mul3A : i32
    %add3A = arith.addi %mul3A_0, %arg0 : i32
    %mul3A_1 = arith.constant 128 : i32
    %mul3A_2 = arith.muli %add3A, %mul3A_1 : i32
    %dma_start3A = tpu.memref_slice %arg2[%mul3A_2] : memref<4096xi32, #tpu.memory_space<hbm>> -> memref<128xi32, #tpu.memory_space<hbm>>
    %dma_start3A_3 = tpu.memref_slice %arg2[%mul3A_2] : memref<4096xi32, #tpu.memory_space<hbm>> -> memref<128xi32, #tpu.memory_space<hbm>>
    tpu.enqueue_dma source(%dma_start3A_3 : memref<128xi32, #tpu.memory_space<hbm>>) target(%arg7 : memref<128xi32, #tpu.memory_space<vmem>>) target_semaphore(%arg20 : memref<!tpu.dma_semaphore, #tpu.memory_space<semaphore_mem>>)
    %dma_start3A_4 = tpu.memref_slice %arg3[%mul3A_2] : memref<4096xi32, #tpu.memory_space<hbm>> -> memref<128xi32, #tpu.memory_space<hbm>>
    %dma_start3A_5 = tpu.memref_slice %arg3[%mul3A_2] : memref<4096xi32, #tpu.memory_space<hbm>> -> memref<128xi32, #tpu.memory_space<hbm>>
    tpu.enqueue_dma source(%dma_start3A_5 : memref<128xi32, #tpu.memory_space<hbm>>) target(%arg8 : memref<128xi32, #tpu.memory_space<vmem>>) target_semaphore(%arg20 : memref<!tpu.dma_semaphore, #tpu.memory_space<semaphore_mem>>)
    %dma_wait3A = tpu.memref_slice %arg2[%mul3A_2] : memref<4096xi32, #tpu.memory_space<hbm>> -> memref<128xi32, #tpu.memory_space<hbm>>
    %dma_wait3A_6 = tpu.memref_slice %arg2[%mul3A_2] : memref<4096xi32, #tpu.memory_space<hbm>> -> memref<128xi32, #tpu.memory_space<hbm>>
    tpu.wait_dma2 semaphore(%arg20 : memref<!tpu.dma_semaphore, #tpu.memory_space<semaphore_mem>>) src(%dma_wait3A_6 : memref<128xi32, #tpu.memory_space<hbm>>) dst(%arg7 : memref<128xi32, #tpu.memory_space<vmem>>)
    %dma_wait3A_7 = tpu.memref_slice %arg3[%mul3A_2] : memref<4096xi32, #tpu.memory_space<hbm>> -> memref<128xi32, #tpu.memory_space<hbm>>
    %dma_wait3A_8 = tpu.memref_slice %arg3[%mul3A_2] : memref<4096xi32, #tpu.memory_space<hbm>> -> memref<128xi32, #tpu.memory_space<hbm>>
    tpu.wait_dma2 semaphore(%arg20 : memref<!tpu.dma_semaphore, #tpu.memory_space<semaphore_mem>>) src(%dma_wait3A_8 : memref<128xi32, #tpu.memory_space<hbm>>) dst(%arg8 : memref<128xi32, #tpu.memory_space<vmem>>)
    %dma_start3A_9 = arith.constant 0 : i32
    %dma_start3A_10 = arith.constant 0 : i32
    %dma_start3A_11 = tpu.memref_slice %arg9[%dma_start3A_9, %dma_start3A_10] : memref<128x128xf32, #tpu.memory_space<vmem>> -> memref<16x128xf32, #tpu.memory_space<vmem>>
    %dma_start3A_12 = arith.constant 0 : i32
    %dma_start3A_13 = tpu.memref_slice %arg7[%dma_start3A_12] : memref<128xi32, #tpu.memory_space<vmem>> -> memref<16xi32, #tpu.memory_space<vmem>>
    %dma_start3A_14 = arith.constant 0 : i32
    %dma_start3A_15 = arith.constant 0 : i32
    %dma_start3A_16 = tpu.memref_slice %arg4[%dma_start3A_14, %dma_start3A_15] : memref<1000000x128xf32, #tpu.memory_space<hbm>> -> memref<1000000x128xf32, #tpu.memory_space<hbm>>
    tpu.enqueue_indirect_dma source(%dma_start3A_16 : memref<1000000x128xf32, #tpu.memory_space<hbm>>) target(%dma_start3A_11 : memref<16x128xf32, #tpu.memory_space<vmem>>) offsets(%dma_start3A_13 : memref<16xi32, #tpu.memory_space<vmem>>) semaphore(%arg12 : memref<!tpu.dma_semaphore, #tpu.memory_space<semaphore_mem>>)
    %dma_start3A_17 = arith.constant 0 : i32
    %dma_start3A_18 = arith.constant 0 : i32
    %dma_start3A_19 = tpu.memref_slice %arg10[%dma_start3A_17, %dma_start3A_18] : memref<128x128xf32, #tpu.memory_space<vmem>> -> memref<16x128xf32, #tpu.memory_space<vmem>>
    %dma_start3A_20 = arith.constant 0 : i32
    %dma_start3A_21 = tpu.memref_slice %arg8[%dma_start3A_20] : memref<128xi32, #tpu.memory_space<vmem>> -> memref<16xi32, #tpu.memory_space<vmem>>
    %dma_start3A_22 = arith.constant 0 : i32
    %dma_start3A_23 = arith.constant 0 : i32
    %dma_start3A_24 = tpu.memref_slice %arg5[%dma_start3A_22, %dma_start3A_23] : memref<100000x128xf32, #tpu.memory_space<hbm>> -> memref<100000x128xf32, #tpu.memory_space<hbm>>
    tpu.enqueue_indirect_dma source(%dma_start3A_24 : memref<100000x128xf32, #tpu.memory_space<hbm>>) target(%dma_start3A_19 : memref<16x128xf32, #tpu.memory_space<vmem>>) offsets(%dma_start3A_21 : memref<16xi32, #tpu.memory_space<vmem>>) semaphore(%arg12 : memref<!tpu.dma_semaphore, #tpu.memory_space<semaphore_mem>>)
    %dma_start3A_25 = arith.constant 16 : i32
    %dma_start3A_26 = arith.constant 0 : i32
    %dma_start3A_27 = tpu.memref_slice %arg9[%dma_start3A_25, %dma_start3A_26] : memref<128x128xf32, #tpu.memory_space<vmem>> -> memref<16x128xf32, #tpu.memory_space<vmem>>
    %dma_start3A_28 = arith.constant 16 : i32
    %dma_start3A_29 = tpu.memref_slice %arg7[%dma_start3A_28] : memref<128xi32, #tpu.memory_space<vmem>> -> memref<16xi32, #tpu.memory_space<vmem>>
    %dma_start3A_30 = arith.constant 0 : i32
    %dma_start3A_31 = arith.constant 0 : i32
    %dma_start3A_32 = tpu.memref_slice %arg4[%dma_start3A_30, %dma_start3A_31] : memref<1000000x128xf32, #tpu.memory_space<hbm>> -> memref<1000000x128xf32, #tpu.memory_space<hbm>>
    tpu.enqueue_indirect_dma source(%dma_start3A_32 : memref<1000000x128xf32, #tpu.memory_space<hbm>>) target(%dma_start3A_27 : memref<16x128xf32, #tpu.memory_space<vmem>>) offsets(%dma_start3A_29 : memref<16xi32, #tpu.memory_space<vmem>>) semaphore(%arg13 : memref<!tpu.dma_semaphore, #tpu.memory_space<semaphore_mem>>)
    %dma_start3A_33 = arith.constant 16 : i32
    %dma_start3A_34 = arith.constant 0 : i32
    %dma_start3A_35 = tpu.memref_slice %arg10[%dma_start3A_33, %dma_start3A_34] : memref<128x128xf32, #tpu.memory_space<vmem>> -> memref<16x128xf32, #tpu.memory_space<vmem>>
    %dma_start3A_36 = arith.constant 16 : i32
    %dma_start3A_37 = tpu.memref_slice %arg8[%dma_start3A_36] : memref<128xi32, #tpu.memory_space<vmem>> -> memref<16xi32, #tpu.memory_space<vmem>>
    %dma_start3A_38 = arith.constant 0 : i32
    %dma_start3A_39 = arith.constant 0 : i32
    %dma_start3A_40 = tpu.memref_slice %arg5[%dma_start3A_38, %dma_start3A_39] : memref<100000x128xf32, #tpu.memory_space<hbm>> -> memref<100000x128xf32, #tpu.memory_space<hbm>>
    tpu.enqueue_indirect_dma source(%dma_start3A_40 : memref<100000x128xf32, #tpu.memory_space<hbm>>) target(%dma_start3A_35 : memref<16x128xf32, #tpu.memory_space<vmem>>) offsets(%dma_start3A_37 : memref<16xi32, #tpu.memory_space<vmem>>) semaphore(%arg13 : memref<!tpu.dma_semaphore, #tpu.memory_space<semaphore_mem>>)
    %dma_start3A_41 = arith.constant 32 : i32
    %dma_start3A_42 = arith.constant 0 : i32
    %dma_start3A_43 = tpu.memref_slice %arg9[%dma_start3A_41, %dma_start3A_42] : memref<128x128xf32, #tpu.memory_space<vmem>> -> memref<16x128xf32, #tpu.memory_space<vmem>>
    %dma_start3A_44 = arith.constant 32 : i32
    %dma_start3A_45 = tpu.memref_slice %arg7[%dma_start3A_44] : memref<128xi32, #tpu.memory_space<vmem>> -> memref<16xi32, #tpu.memory_space<vmem>>
    %dma_start3A_46 = arith.constant 0 : i32
    %dma_start3A_47 = arith.constant 0 : i32
    %dma_start3A_48 = tpu.memref_slice %arg4[%dma_start3A_46, %dma_start3A_47] : memref<1000000x128xf32, #tpu.memory_space<hbm>> -> memref<1000000x128xf32, #tpu.memory_space<hbm>>
    tpu.enqueue_indirect_dma source(%dma_start3A_48 : memref<1000000x128xf32, #tpu.memory_space<hbm>>) target(%dma_start3A_43 : memref<16x128xf32, #tpu.memory_space<vmem>>) offsets(%dma_start3A_45 : memref<16xi32, #tpu.memory_space<vmem>>) semaphore(%arg14 : memref<!tpu.dma_semaphore, #tpu.memory_space<semaphore_mem>>)
    %dma_start3A_49 = arith.constant 32 : i32
    %dma_start3A_50 = arith.constant 0 : i32
    %dma_start3A_51 = tpu.memref_slice %arg10[%dma_start3A_49, %dma_start3A_50] : memref<128x128xf32, #tpu.memory_space<vmem>> -> memref<16x128xf32, #tpu.memory_space<vmem>>
    %dma_start3A_52 = arith.constant 32 : i32
    %dma_start3A_53 = tpu.memref_slice %arg8[%dma_start3A_52] : memref<128xi32, #tpu.memory_space<vmem>> -> memref<16xi32, #tpu.memory_space<vmem>>
    %dma_start3A_54 = arith.constant 0 : i32
    %dma_start3A_55 = arith.constant 0 : i32
    %dma_start3A_56 = tpu.memref_slice %arg5[%dma_start3A_54, %dma_start3A_55] : memref<100000x128xf32, #tpu.memory_space<hbm>> -> memref<100000x128xf32, #tpu.memory_space<hbm>>
    tpu.enqueue_indirect_dma source(%dma_start3A_56 : memref<100000x128xf32, #tpu.memory_space<hbm>>) target(%dma_start3A_51 : memref<16x128xf32, #tpu.memory_space<vmem>>) offsets(%dma_start3A_53 : memref<16xi32, #tpu.memory_space<vmem>>) semaphore(%arg14 : memref<!tpu.dma_semaphore, #tpu.memory_space<semaphore_mem>>)
    %dma_start3A_57 = arith.constant 48 : i32
    %dma_start3A_58 = arith.constant 0 : i32
    %dma_start3A_59 = tpu.memref_slice %arg9[%dma_start3A_57, %dma_start3A_58] : memref<128x128xf32, #tpu.memory_space<vmem>> -> memref<16x128xf32, #tpu.memory_space<vmem>>
    %dma_start3A_60 = arith.constant 48 : i32
    %dma_start3A_61 = tpu.memref_slice %arg7[%dma_start3A_60] : memref<128xi32, #tpu.memory_space<vmem>> -> memref<16xi32, #tpu.memory_space<vmem>>
    %dma_start3A_62 = arith.constant 0 : i32
    %dma_start3A_63 = arith.constant 0 : i32
    %dma_start3A_64 = tpu.memref_slice %arg4[%dma_start3A_62, %dma_start3A_63] : memref<1000000x128xf32, #tpu.memory_space<hbm>> -> memref<1000000x128xf32, #tpu.memory_space<hbm>>
    tpu.enqueue_indirect_dma source(%dma_start3A_64 : memref<1000000x128xf32, #tpu.memory_space<hbm>>) target(%dma_start3A_59 : memref<16x128xf32, #tpu.memory_space<vmem>>) offsets(%dma_start3A_61 : memref<16xi32, #tpu.memory_space<vmem>>) semaphore(%arg15 : memref<!tpu.dma_semaphore, #tpu.memory_space<semaphore_mem>>)
    %dma_start3A_65 = arith.constant 48 : i32
    %dma_start3A_66 = arith.constant 0 : i32
    %dma_start3A_67 = tpu.memref_slice %arg10[%dma_start3A_65, %dma_start3A_66] : memref<128x128xf32, #tpu.memory_space<vmem>> -> memref<16x128xf32, #tpu.memory_space<vmem>>
    %dma_start3A_68 = arith.constant 48 : i32
    %dma_start3A_69 = tpu.memref_slice %arg8[%dma_start3A_68] : memref<128xi32, #tpu.memory_space<vmem>> -> memref<16xi32, #tpu.memory_space<vmem>>
    %dma_start3A_70 = arith.constant 0 : i32
    %dma_start3A_71 = arith.constant 0 : i32
    %dma_start3A_72 = tpu.memref_slice %arg5[%dma_start3A_70, %dma_start3A_71] : memref<100000x128xf32, #tpu.memory_space<hbm>> -> memref<100000x128xf32, #tpu.memory_space<hbm>>
    tpu.enqueue_indirect_dma source(%dma_start3A_72 : memref<100000x128xf32, #tpu.memory_space<hbm>>) target(%dma_start3A_67 : memref<16x128xf32, #tpu.memory_space<vmem>>) offsets(%dma_start3A_69 : memref<16xi32, #tpu.memory_space<vmem>>) semaphore(%arg15 : memref<!tpu.dma_semaphore, #tpu.memory_space<semaphore_mem>>)
    %dma_start3A_73 = arith.constant 64 : i32
    %dma_start3A_74 = arith.constant 0 : i32
    %dma_start3A_75 = tpu.memref_slice %arg9[%dma_start3A_73, %dma_start3A_74] : memref<128x128xf32, #tpu.memory_space<vmem>> -> memref<16x128xf32, #tpu.memory_space<vmem>>
    %dma_start3A_76 = arith.constant 64 : i32
    %dma_start3A_77 = tpu.memref_slice %arg7[%dma_start3A_76] : memref<128xi32, #tpu.memory_space<vmem>> -> memref<16xi32, #tpu.memory_space<vmem>>
    %dma_start3A_78 = arith.constant 0 : i32
    %dma_start3A_79 = arith.constant 0 : i32
    %dma_start3A_80 = tpu.memref_slice %arg4[%dma_start3A_78, %dma_start3A_79] : memref<1000000x128xf32, #tpu.memory_space<hbm>> -> memref<1000000x128xf32, #tpu.memory_space<hbm>>
    tpu.enqueue_indirect_dma source(%dma_start3A_80 : memref<1000000x128xf32, #tpu.memory_space<hbm>>) target(%dma_start3A_75 : memref<16x128xf32, #tpu.memory_space<vmem>>) offsets(%dma_start3A_77 : memref<16xi32, #tpu.memory_space<vmem>>) semaphore(%arg16 : memref<!tpu.dma_semaphore, #tpu.memory_space<semaphore_mem>>)
    %dma_start3A_81 = arith.constant 64 : i32
    %dma_start3A_82 = arith.constant 0 : i32
    %dma_start3A_83 = tpu.memref_slice %arg10[%dma_start3A_81, %dma_start3A_82] : memref<128x128xf32, #tpu.memory_space<vmem>> -> memref<16x128xf32, #tpu.memory_space<vmem>>
    %dma_start3A_84 = arith.constant 64 : i32
    %dma_start3A_85 = tpu.memref_slice %arg8[%dma_start3A_84] : memref<128xi32, #tpu.memory_space<vmem>> -> memref<16xi32, #tpu.memory_space<vmem>>
    %dma_start3A_86 = arith.constant 0 : i32
    %dma_start3A_87 = arith.constant 0 : i32
    %dma_start3A_88 = tpu.memref_slice %arg5[%dma_start3A_86, %dma_start3A_87] : memref<100000x128xf32, #tpu.memory_space<hbm>> -> memref<100000x128xf32, #tpu.memory_space<hbm>>
    tpu.enqueue_indirect_dma source(%dma_start3A_88 : memref<100000x128xf32, #tpu.memory_space<hbm>>) target(%dma_start3A_83 : memref<16x128xf32, #tpu.memory_space<vmem>>) offsets(%dma_start3A_85 : memref<16xi32, #tpu.memory_space<vmem>>) semaphore(%arg16 : memref<!tpu.dma_semaphore, #tpu.memory_space<semaphore_mem>>)
    %dma_start3A_89 = arith.constant 80 : i32
    %dma_start3A_90 = arith.constant 0 : i32
    %dma_start3A_91 = tpu.memref_slice %arg9[%dma_start3A_89, %dma_start3A_90] : memref<128x128xf32, #tpu.memory_space<vmem>> -> memref<16x128xf32, #tpu.memory_space<vmem>>
    %dma_start3A_92 = arith.constant 80 : i32
    %dma_start3A_93 = tpu.memref_slice %arg7[%dma_start3A_92] : memref<128xi32, #tpu.memory_space<vmem>> -> memref<16xi32, #tpu.memory_space<vmem>>
    %dma_start3A_94 = arith.constant 0 : i32
    %dma_start3A_95 = arith.constant 0 : i32
    %dma_start3A_96 = tpu.memref_slice %arg4[%dma_start3A_94, %dma_start3A_95] : memref<1000000x128xf32, #tpu.memory_space<hbm>> -> memref<1000000x128xf32, #tpu.memory_space<hbm>>
    tpu.enqueue_indirect_dma source(%dma_start3A_96 : memref<1000000x128xf32, #tpu.memory_space<hbm>>) target(%dma_start3A_91 : memref<16x128xf32, #tpu.memory_space<vmem>>) offsets(%dma_start3A_93 : memref<16xi32, #tpu.memory_space<vmem>>) semaphore(%arg17 : memref<!tpu.dma_semaphore, #tpu.memory_space<semaphore_mem>>)
    %dma_start3A_97 = arith.constant 80 : i32
    %dma_start3A_98 = arith.constant 0 : i32
    %dma_start3A_99 = tpu.memref_slice %arg10[%dma_start3A_97, %dma_start3A_98] : memref<128x128xf32, #tpu.memory_space<vmem>> -> memref<16x128xf32, #tpu.memory_space<vmem>>
    %dma_start3A_100 = arith.constant 80 : i32
    %dma_start3A_101 = tpu.memref_slice %arg8[%dma_start3A_100] : memref<128xi32, #tpu.memory_space<vmem>> -> memref<16xi32, #tpu.memory_space<vmem>>
    %dma_start3A_102 = arith.constant 0 : i32
    %dma_start3A_103 = arith.constant 0 : i32
    %dma_start3A_104 = tpu.memref_slice %arg5[%dma_start3A_102, %dma_start3A_103] : memref<100000x128xf32, #tpu.memory_space<hbm>> -> memref<100000x128xf32, #tpu.memory_space<hbm>>
    tpu.enqueue_indirect_dma source(%dma_start3A_104 : memref<100000x128xf32, #tpu.memory_space<hbm>>) target(%dma_start3A_99 : memref<16x128xf32, #tpu.memory_space<vmem>>) offsets(%dma_start3A_101 : memref<16xi32, #tpu.memory_space<vmem>>) semaphore(%arg17 : memref<!tpu.dma_semaphore, #tpu.memory_space<semaphore_mem>>)
    %dma_start3A_105 = arith.constant 96 : i32
    %dma_start3A_106 = arith.constant 0 : i32
    %dma_start3A_107 = tpu.memref_slice %arg9[%dma_start3A_105, %dma_start3A_106] : memref<128x128xf32, #tpu.memory_space<vmem>> -> memref<16x128xf32, #tpu.memory_space<vmem>>
    %dma_start3A_108 = arith.constant 96 : i32
    %dma_start3A_109 = tpu.memref_slice %arg7[%dma_start3A_108] : memref<128xi32, #tpu.memory_space<vmem>> -> memref<16xi32, #tpu.memory_space<vmem>>
    %dma_start3A_110 = arith.constant 0 : i32
    %dma_start3A_111 = arith.constant 0 : i32
    %dma_start3A_112 = tpu.memref_slice %arg4[%dma_start3A_110, %dma_start3A_111] : memref<1000000x128xf32, #tpu.memory_space<hbm>> -> memref<1000000x128xf32, #tpu.memory_space<hbm>>
    tpu.enqueue_indirect_dma source(%dma_start3A_112 : memref<1000000x128xf32, #tpu.memory_space<hbm>>) target(%dma_start3A_107 : memref<16x128xf32, #tpu.memory_space<vmem>>) offsets(%dma_start3A_109 : memref<16xi32, #tpu.memory_space<vmem>>) semaphore(%arg18 : memref<!tpu.dma_semaphore, #tpu.memory_space<semaphore_mem>>)
    %dma_start3A_113 = arith.constant 96 : i32
    %dma_start3A_114 = arith.constant 0 : i32
    %dma_start3A_115 = tpu.memref_slice %arg10[%dma_start3A_113, %dma_start3A_114] : memref<128x128xf32, #tpu.memory_space<vmem>> -> memref<16x128xf32, #tpu.memory_space<vmem>>
    %dma_start3A_116 = arith.constant 96 : i32
    %dma_start3A_117 = tpu.memref_slice %arg8[%dma_start3A_116] : memref<128xi32, #tpu.memory_space<vmem>> -> memref<16xi32, #tpu.memory_space<vmem>>
    %dma_start3A_118 = arith.constant 0 : i32
    %dma_start3A_119 = arith.constant 0 : i32
    %dma_start3A_120 = tpu.memref_slice %arg5[%dma_start3A_118, %dma_start3A_119] : memref<100000x128xf32, #tpu.memory_space<hbm>> -> memref<100000x128xf32, #tpu.memory_space<hbm>>
    tpu.enqueue_indirect_dma source(%dma_start3A_120 : memref<100000x128xf32, #tpu.memory_space<hbm>>) target(%dma_start3A_115 : memref<16x128xf32, #tpu.memory_space<vmem>>) offsets(%dma_start3A_117 : memref<16xi32, #tpu.memory_space<vmem>>) semaphore(%arg18 : memref<!tpu.dma_semaphore, #tpu.memory_space<semaphore_mem>>)
    %dma_start3A_121 = arith.constant 112 : i32
    %dma_start3A_122 = arith.constant 0 : i32
    %dma_start3A_123 = tpu.memref_slice %arg9[%dma_start3A_121, %dma_start3A_122] : memref<128x128xf32, #tpu.memory_space<vmem>> -> memref<16x128xf32, #tpu.memory_space<vmem>>
    %dma_start3A_124 = arith.constant 112 : i32
    %dma_start3A_125 = tpu.memref_slice %arg7[%dma_start3A_124] : memref<128xi32, #tpu.memory_space<vmem>> -> memref<16xi32, #tpu.memory_space<vmem>>
    %dma_start3A_126 = arith.constant 0 : i32
    %dma_start3A_127 = arith.constant 0 : i32
    %dma_start3A_128 = tpu.memref_slice %arg4[%dma_start3A_126, %dma_start3A_127] : memref<1000000x128xf32, #tpu.memory_space<hbm>> -> memref<1000000x128xf32, #tpu.memory_space<hbm>>
    tpu.enqueue_indirect_dma source(%dma_start3A_128 : memref<1000000x128xf32, #tpu.memory_space<hbm>>) target(%dma_start3A_123 : memref<16x128xf32, #tpu.memory_space<vmem>>) offsets(%dma_start3A_125 : memref<16xi32, #tpu.memory_space<vmem>>) semaphore(%arg19 : memref<!tpu.dma_semaphore, #tpu.memory_space<semaphore_mem>>)
    %dma_start3A_129 = arith.constant 112 : i32
    %dma_start3A_130 = arith.constant 0 : i32
    %dma_start3A_131 = tpu.memref_slice %arg10[%dma_start3A_129, %dma_start3A_130] : memref<128x128xf32, #tpu.memory_space<vmem>> -> memref<16x128xf32, #tpu.memory_space<vmem>>
    %dma_start3A_132 = arith.constant 112 : i32
    %dma_start3A_133 = tpu.memref_slice %arg8[%dma_start3A_132] : memref<128xi32, #tpu.memory_space<vmem>> -> memref<16xi32, #tpu.memory_space<vmem>>
    %dma_start3A_134 = arith.constant 0 : i32
    %dma_start3A_135 = arith.constant 0 : i32
    %dma_start3A_136 = tpu.memref_slice %arg5[%dma_start3A_134, %dma_start3A_135] : memref<100000x128xf32, #tpu.memory_space<hbm>> -> memref<100000x128xf32, #tpu.memory_space<hbm>>
    tpu.enqueue_indirect_dma source(%dma_start3A_136 : memref<100000x128xf32, #tpu.memory_space<hbm>>) target(%dma_start3A_131 : memref<16x128xf32, #tpu.memory_space<vmem>>) offsets(%dma_start3A_133 : memref<16xi32, #tpu.memory_space<vmem>>) semaphore(%arg19 : memref<!tpu.dma_semaphore, #tpu.memory_space<semaphore_mem>>)
    %iota3A = tpu.iota {dimensions = array<i32: 0>} : vector<16xi32>
    %and3A = arith.constant 1 : i32
    %and3A_137 = vector.broadcast %and3A : i32 to vector<16xi32>
    %and3A_138 = arith.andi %iota3A, %and3A_137 : vector<16xi32>
    %ne3A = arith.constant 0 : i32
    %ne3A_139 = vector.broadcast %ne3A : i32 to vector<16xi32>
    %ne3A_140 = arith.cmpi ne, %and3A_138, %ne3A_139 : vector<16xi32>
    %and3A_141 = arith.constant 2 : i32
    %and3A_142 = vector.broadcast %and3A_141 : i32 to vector<16xi32>
    %and3A_143 = arith.andi %iota3A, %and3A_142 : vector<16xi32>
    %ne3A_144 = arith.constant 0 : i32
    %ne3A_145 = vector.broadcast %ne3A_144 : i32 to vector<16xi32>
    %ne3A_146 = arith.cmpi ne, %and3A_143, %ne3A_145 : vector<16xi32>
    %and3A_147 = arith.constant 4 : i32
    %and3A_148 = vector.broadcast %and3A_147 : i32 to vector<16xi32>
    %and3A_149 = arith.andi %iota3A, %and3A_148 : vector<16xi32>
    %ne3A_150 = arith.constant 0 : i32
    %ne3A_151 = vector.broadcast %ne3A_150 : i32 to vector<16xi32>
    %ne3A_152 = arith.cmpi ne, %and3A_149, %ne3A_151 : vector<16xi32>
    %and3A_153 = arith.constant 8 : i32
    %and3A_154 = vector.broadcast %and3A_153 : i32 to vector<16xi32>
    %and3A_155 = arith.andi %iota3A, %and3A_154 : vector<16xi32>
    %ne3A_156 = arith.constant 0 : i32
    %ne3A_157 = vector.broadcast %ne3A_156 : i32 to vector<16xi32>
    %ne3A_158 = arith.cmpi ne, %and3A_155, %ne3A_157 : vector<16xi32>
    %xor3A = arith.constant 1 : i32
    %xor3A_159 = vector.broadcast %xor3A : i32 to vector<16xi32>
    %xor3A_160 = arith.xori %iota3A, %xor3A_159 : vector<16xi32>
    %bitcast3A = vector.bitcast %xor3A_160 : vector<16xi32> to vector<16xi32>
    %xor3A_161 = arith.constant 2 : i32
    %xor3A_162 = vector.broadcast %xor3A_161 : i32 to vector<16xi32>
    %xor3A_163 = arith.xori %iota3A, %xor3A_162 : vector<16xi32>
    %bitcast3A_164 = vector.bitcast %xor3A_163 : vector<16xi32> to vector<16xi32>
    %xor3A_165 = arith.constant 4 : i32
    %xor3A_166 = vector.broadcast %xor3A_165 : i32 to vector<16xi32>
    %xor3A_167 = arith.xori %iota3A, %xor3A_166 : vector<16xi32>
    %bitcast3A_168 = vector.bitcast %xor3A_167 : vector<16xi32> to vector<16xi32>
    %xor3A_169 = arith.constant 8 : i32
    %xor3A_170 = vector.broadcast %xor3A_169 : i32 to vector<16xi32>
    %xor3A_171 = arith.xori %iota3A, %xor3A_170 : vector<16xi32>
    %bitcast3A_172 = vector.bitcast %xor3A_171 : vector<16xi32> to vector<16xi32>
    %scan3A = arith.constant 0 : i32
    %scan3A_173 = arith.constant 0 : i32
    %scan3A_174 = arith.constant 8 : i32
    %scan3A_175 = arith.addi %scan3A_173, %scan3A_174 : i32
    %scan3A_176 = arith.constant 1 : i32
    scf.for %scan3A_178 = %scan3A_173 to %scan3A_175 step %scan3A_176  : i32 {
      %eq3A = arith.constant 0 : i32
      %eq3A_179 = arith.cmpi eq, %scan3A_178, %eq3A : i32
      %convert_element_type3A = arith.extui %eq3A_179 : i1 to i32
      %cond3A = arith.constant 0 : i32
      %cond3A_180 = arith.cmpi ne, %convert_element_type3A, %cond3A : i32
      scf.if %cond3A_180 {
        %dma_wait3A_1393 = arith.constant 0 : i32
        %dma_wait3A_1394 = arith.constant 0 : i32
        %dma_wait3A_1395 = tpu.memref_slice %arg9[%dma_wait3A_1393, %dma_wait3A_1394] : memref<128x128xf32, #tpu.memory_space<vmem>> -> memref<16x128xf32, #tpu.memory_space<vmem>>
        %dma_wait3A_1396 = arith.constant 0 : i32
        %dma_wait3A_1397 = tpu.memref_slice %arg7[%dma_wait3A_1396] : memref<128xi32, #tpu.memory_space<vmem>> -> memref<16xi32, #tpu.memory_space<vmem>>
        %dma_wait3A_1398 = arith.constant 0 : i32
        %dma_wait3A_1399 = arith.constant 0 : i32
        %dma_wait3A_1400 = tpu.memref_slice %arg4[%dma_wait3A_1398, %dma_wait3A_1399] : memref<1000000x128xf32, #tpu.memory_space<hbm>> -> memref<1000000x128xf32, #tpu.memory_space<hbm>>
        tpu.wait_indirect_dma semaphore(%arg12 : memref<!tpu.dma_semaphore, #tpu.memory_space<semaphore_mem>>) src(%dma_wait3A_1400 : memref<1000000x128xf32, #tpu.memory_space<hbm>>) dst(%dma_wait3A_1395 : memref<16x128xf32, #tpu.memory_space<vmem>>)
        %dma_wait3A_1401 = arith.constant 0 : i32
        %dma_wait3A_1402 = arith.constant 0 : i32
        %dma_wait3A_1403 = tpu.memref_slice %arg10[%dma_wait3A_1401, %dma_wait3A_1402] : memref<128x128xf32, #tpu.memory_space<vmem>> -> memref<16x128xf32, #tpu.memory_space<vmem>>
        %dma_wait3A_1404 = arith.constant 0 : i32
        %dma_wait3A_1405 = tpu.memref_slice %arg8[%dma_wait3A_1404] : memref<128xi32, #tpu.memory_space<vmem>> -> memref<16xi32, #tpu.memory_space<vmem>>
        %dma_wait3A_1406 = arith.constant 0 : i32
        %dma_wait3A_1407 = arith.constant 0 : i32
        %dma_wait3A_1408 = tpu.memref_slice %arg5[%dma_wait3A_1406, %dma_wait3A_1407] : memref<100000x128xf32, #tpu.memory_space<hbm>> -> memref<100000x128xf32, #tpu.memory_space<hbm>>
        tpu.wait_indirect_dma semaphore(%arg12 : memref<!tpu.dma_semaphore, #tpu.memory_space<semaphore_mem>>) src(%dma_wait3A_1408 : memref<100000x128xf32, #tpu.memory_space<hbm>>) dst(%dma_wait3A_1403 : memref<16x128xf32, #tpu.memory_space<vmem>>)
      } else {
      }
      %eq3A_181 = arith.constant 1 : i32
      %eq3A_182 = arith.cmpi eq, %scan3A_178, %eq3A_181 : i32
      %convert_element_type3A_183 = arith.extui %eq3A_182 : i1 to i32
      %cond3A_184 = arith.constant 0 : i32
      %cond3A_185 = arith.cmpi ne, %convert_element_type3A_183, %cond3A_184 : i32
      scf.if %cond3A_185 {
        %dma_wait3A_1393 = arith.constant 16 : i32
        %dma_wait3A_1394 = arith.constant 0 : i32
        %dma_wait3A_1395 = tpu.memref_slice %arg9[%dma_wait3A_1393, %dma_wait3A_1394] : memref<128x128xf32, #tpu.memory_space<vmem>> -> memref<16x128xf32, #tpu.memory_space<vmem>>
        %dma_wait3A_1396 = arith.constant 16 : i32
        %dma_wait3A_1397 = tpu.memref_slice %arg7[%dma_wait3A_1396] : memref<128xi32, #tpu.memory_space<vmem>> -> memref<16xi32, #tpu.memory_space<vmem>>
        %dma_wait3A_1398 = arith.constant 0 : i32
        %dma_wait3A_1399 = arith.constant 0 : i32
        %dma_wait3A_1400 = tpu.memref_slice %arg4[%dma_wait3A_1398, %dma_wait3A_1399] : memref<1000000x128xf32, #tpu.memory_space<hbm>> -> memref<1000000x128xf32, #tpu.memory_space<hbm>>
        tpu.wait_indirect_dma semaphore(%arg13 : memref<!tpu.dma_semaphore, #tpu.memory_space<semaphore_mem>>) src(%dma_wait3A_1400 : memref<1000000x128xf32, #tpu.memory_space<hbm>>) dst(%dma_wait3A_1395 : memref<16x128xf32, #tpu.memory_space<vmem>>)
        %dma_wait3A_1401 = arith.constant 16 : i32
        %dma_wait3A_1402 = arith.constant 0 : i32
        %dma_wait3A_1403 = tpu.memref_slice %arg10[%dma_wait3A_1401, %dma_wait3A_1402] : memref<128x128xf32, #tpu.memory_space<vmem>> -> memref<16x128xf32, #tpu.memory_space<vmem>>
        %dma_wait3A_1404 = arith.constant 16 : i32
        %dma_wait3A_1405 = tpu.memref_slice %arg8[%dma_wait3A_1404] : memref<128xi32, #tpu.memory_space<vmem>> -> memref<16xi32, #tpu.memory_space<vmem>>
        %dma_wait3A_1406 = arith.constant 0 : i32
        %dma_wait3A_1407 = arith.constant 0 : i32
        %dma_wait3A_1408 = tpu.memref_slice %arg5[%dma_wait3A_1406, %dma_wait3A_1407] : memref<100000x128xf32, #tpu.memory_space<hbm>> -> memref<100000x128xf32, #tpu.memory_space<hbm>>
        tpu.wait_indirect_dma semaphore(%arg13 : memref<!tpu.dma_semaphore, #tpu.memory_space<semaphore_mem>>) src(%dma_wait3A_1408 : memref<100000x128xf32, #tpu.memory_space<hbm>>) dst(%dma_wait3A_1403 : memref<16x128xf32, #tpu.memory_space<vmem>>)
      } else {
      }
      %eq3A_186 = arith.constant 2 : i32
      %eq3A_187 = arith.cmpi eq, %scan3A_178, %eq3A_186 : i32
      %convert_element_type3A_188 = arith.extui %eq3A_187 : i1 to i32
      %cond3A_189 = arith.constant 0 : i32
      %cond3A_190 = arith.cmpi ne, %convert_element_type3A_188, %cond3A_189 : i32
      scf.if %cond3A_190 {
        %dma_wait3A_1393 = arith.constant 32 : i32
        %dma_wait3A_1394 = arith.constant 0 : i32
        %dma_wait3A_1395 = tpu.memref_slice %arg9[%dma_wait3A_1393, %dma_wait3A_1394] : memref<128x128xf32, #tpu.memory_space<vmem>> -> memref<16x128xf32, #tpu.memory_space<vmem>>
        %dma_wait3A_1396 = arith.constant 32 : i32
        %dma_wait3A_1397 = tpu.memref_slice %arg7[%dma_wait3A_1396] : memref<128xi32, #tpu.memory_space<vmem>> -> memref<16xi32, #tpu.memory_space<vmem>>
        %dma_wait3A_1398 = arith.constant 0 : i32
        %dma_wait3A_1399 = arith.constant 0 : i32
        %dma_wait3A_1400 = tpu.memref_slice %arg4[%dma_wait3A_1398, %dma_wait3A_1399] : memref<1000000x128xf32, #tpu.memory_space<hbm>> -> memref<1000000x128xf32, #tpu.memory_space<hbm>>
        tpu.wait_indirect_dma semaphore(%arg14 : memref<!tpu.dma_semaphore, #tpu.memory_space<semaphore_mem>>) src(%dma_wait3A_1400 : memref<1000000x128xf32, #tpu.memory_space<hbm>>) dst(%dma_wait3A_1395 : memref<16x128xf32, #tpu.memory_space<vmem>>)
        %dma_wait3A_1401 = arith.constant 32 : i32
        %dma_wait3A_1402 = arith.constant 0 : i32
        %dma_wait3A_1403 = tpu.memref_slice %arg10[%dma_wait3A_1401, %dma_wait3A_1402] : memref<128x128xf32, #tpu.memory_space<vmem>> -> memref<16x128xf32, #tpu.memory_space<vmem>>
        %dma_wait3A_1404 = arith.constant 32 : i32
        %dma_wait3A_1405 = tpu.memref_slice %arg8[%dma_wait3A_1404] : memref<128xi32, #tpu.memory_space<vmem>> -> memref<16xi32, #tpu.memory_space<vmem>>
        %dma_wait3A_1406 = arith.constant 0 : i32
        %dma_wait3A_1407 = arith.constant 0 : i32
        %dma_wait3A_1408 = tpu.memref_slice %arg5[%dma_wait3A_1406, %dma_wait3A_1407] : memref<100000x128xf32, #tpu.memory_space<hbm>> -> memref<100000x128xf32, #tpu.memory_space<hbm>>
        tpu.wait_indirect_dma semaphore(%arg14 : memref<!tpu.dma_semaphore, #tpu.memory_space<semaphore_mem>>) src(%dma_wait3A_1408 : memref<100000x128xf32, #tpu.memory_space<hbm>>) dst(%dma_wait3A_1403 : memref<16x128xf32, #tpu.memory_space<vmem>>)
      } else {
      }
      %eq3A_191 = arith.constant 3 : i32
      %eq3A_192 = arith.cmpi eq, %scan3A_178, %eq3A_191 : i32
      %convert_element_type3A_193 = arith.extui %eq3A_192 : i1 to i32
      %cond3A_194 = arith.constant 0 : i32
      %cond3A_195 = arith.cmpi ne, %convert_element_type3A_193, %cond3A_194 : i32
      scf.if %cond3A_195 {
        %dma_wait3A_1393 = arith.constant 48 : i32
        %dma_wait3A_1394 = arith.constant 0 : i32
        %dma_wait3A_1395 = tpu.memref_slice %arg9[%dma_wait3A_1393, %dma_wait3A_1394] : memref<128x128xf32, #tpu.memory_space<vmem>> -> memref<16x128xf32, #tpu.memory_space<vmem>>
        %dma_wait3A_1396 = arith.constant 48 : i32
        %dma_wait3A_1397 = tpu.memref_slice %arg7[%dma_wait3A_1396] : memref<128xi32, #tpu.memory_space<vmem>> -> memref<16xi32, #tpu.memory_space<vmem>>
        %dma_wait3A_1398 = arith.constant 0 : i32
        %dma_wait3A_1399 = arith.constant 0 : i32
        %dma_wait3A_1400 = tpu.memref_slice %arg4[%dma_wait3A_1398, %dma_wait3A_1399] : memref<1000000x128xf32, #tpu.memory_space<hbm>> -> memref<1000000x128xf32, #tpu.memory_space<hbm>>
        tpu.wait_indirect_dma semaphore(%arg15 : memref<!tpu.dma_semaphore, #tpu.memory_space<semaphore_mem>>) src(%dma_wait3A_1400 : memref<1000000x128xf32, #tpu.memory_space<hbm>>) dst(%dma_wait3A_1395 : memref<16x128xf32, #tpu.memory_space<vmem>>)
        %dma_wait3A_1401 = arith.constant 48 : i32
        %dma_wait3A_1402 = arith.constant 0 : i32
        %dma_wait3A_1403 = tpu.memref_slice %arg10[%dma_wait3A_1401, %dma_wait3A_1402] : memref<128x128xf32, #tpu.memory_space<vmem>> -> memref<16x128xf32, #tpu.memory_space<vmem>>
        %dma_wait3A_1404 = arith.constant 48 : i32
        %dma_wait3A_1405 = tpu.memref_slice %arg8[%dma_wait3A_1404] : memref<128xi32, #tpu.memory_space<vmem>> -> memref<16xi32, #tpu.memory_space<vmem>>
        %dma_wait3A_1406 = arith.constant 0 : i32
        %dma_wait3A_1407 = arith.constant 0 : i32
        %dma_wait3A_1408 = tpu.memref_slice %arg5[%dma_wait3A_1406, %dma_wait3A_1407] : memref<100000x128xf32, #tpu.memory_space<hbm>> -> memref<100000x128xf32, #tpu.memory_space<hbm>>
        tpu.wait_indirect_dma semaphore(%arg15 : memref<!tpu.dma_semaphore, #tpu.memory_space<semaphore_mem>>) src(%dma_wait3A_1408 : memref<100000x128xf32, #tpu.memory_space<hbm>>) dst(%dma_wait3A_1403 : memref<16x128xf32, #tpu.memory_space<vmem>>)
      } else {
      }
      %eq3A_196 = arith.constant 4 : i32
      %eq3A_197 = arith.cmpi eq, %scan3A_178, %eq3A_196 : i32
      %convert_element_type3A_198 = arith.extui %eq3A_197 : i1 to i32
      %cond3A_199 = arith.constant 0 : i32
      %cond3A_200 = arith.cmpi ne, %convert_element_type3A_198, %cond3A_199 : i32
      scf.if %cond3A_200 {
        %dma_wait3A_1393 = arith.constant 64 : i32
        %dma_wait3A_1394 = arith.constant 0 : i32
        %dma_wait3A_1395 = tpu.memref_slice %arg9[%dma_wait3A_1393, %dma_wait3A_1394] : memref<128x128xf32, #tpu.memory_space<vmem>> -> memref<16x128xf32, #tpu.memory_space<vmem>>
        %dma_wait3A_1396 = arith.constant 64 : i32
        %dma_wait3A_1397 = tpu.memref_slice %arg7[%dma_wait3A_1396] : memref<128xi32, #tpu.memory_space<vmem>> -> memref<16xi32, #tpu.memory_space<vmem>>
        %dma_wait3A_1398 = arith.constant 0 : i32
        %dma_wait3A_1399 = arith.constant 0 : i32
        %dma_wait3A_1400 = tpu.memref_slice %arg4[%dma_wait3A_1398, %dma_wait3A_1399] : memref<1000000x128xf32, #tpu.memory_space<hbm>> -> memref<1000000x128xf32, #tpu.memory_space<hbm>>
        tpu.wait_indirect_dma semaphore(%arg16 : memref<!tpu.dma_semaphore, #tpu.memory_space<semaphore_mem>>) src(%dma_wait3A_1400 : memref<1000000x128xf32, #tpu.memory_space<hbm>>) dst(%dma_wait3A_1395 : memref<16x128xf32, #tpu.memory_space<vmem>>)
        %dma_wait3A_1401 = arith.constant 64 : i32
        %dma_wait3A_1402 = arith.constant 0 : i32
        %dma_wait3A_1403 = tpu.memref_slice %arg10[%dma_wait3A_1401, %dma_wait3A_1402] : memref<128x128xf32, #tpu.memory_space<vmem>> -> memref<16x128xf32, #tpu.memory_space<vmem>>
        %dma_wait3A_1404 = arith.constant 64 : i32
        %dma_wait3A_1405 = tpu.memref_slice %arg8[%dma_wait3A_1404] : memref<128xi32, #tpu.memory_space<vmem>> -> memref<16xi32, #tpu.memory_space<vmem>>
        %dma_wait3A_1406 = arith.constant 0 : i32
        %dma_wait3A_1407 = arith.constant 0 : i32
        %dma_wait3A_1408 = tpu.memref_slice %arg5[%dma_wait3A_1406, %dma_wait3A_1407] : memref<100000x128xf32, #tpu.memory_space<hbm>> -> memref<100000x128xf32, #tpu.memory_space<hbm>>
        tpu.wait_indirect_dma semaphore(%arg16 : memref<!tpu.dma_semaphore, #tpu.memory_space<semaphore_mem>>) src(%dma_wait3A_1408 : memref<100000x128xf32, #tpu.memory_space<hbm>>) dst(%dma_wait3A_1403 : memref<16x128xf32, #tpu.memory_space<vmem>>)
      } else {
      }
      %eq3A_201 = arith.constant 5 : i32
      %eq3A_202 = arith.cmpi eq, %scan3A_178, %eq3A_201 : i32
      %convert_element_type3A_203 = arith.extui %eq3A_202 : i1 to i32
      %cond3A_204 = arith.constant 0 : i32
      %cond3A_205 = arith.cmpi ne, %convert_element_type3A_203, %cond3A_204 : i32
      scf.if %cond3A_205 {
        %dma_wait3A_1393 = arith.constant 80 : i32
        %dma_wait3A_1394 = arith.constant 0 : i32
        %dma_wait3A_1395 = tpu.memref_slice %arg9[%dma_wait3A_1393, %dma_wait3A_1394] : memref<128x128xf32, #tpu.memory_space<vmem>> -> memref<16x128xf32, #tpu.memory_space<vmem>>
        %dma_wait3A_1396 = arith.constant 80 : i32
        %dma_wait3A_1397 = tpu.memref_slice %arg7[%dma_wait3A_1396] : memref<128xi32, #tpu.memory_space<vmem>> -> memref<16xi32, #tpu.memory_space<vmem>>
        %dma_wait3A_1398 = arith.constant 0 : i32
        %dma_wait3A_1399 = arith.constant 0 : i32
        %dma_wait3A_1400 = tpu.memref_slice %arg4[%dma_wait3A_1398, %dma_wait3A_1399] : memref<1000000x128xf32, #tpu.memory_space<hbm>> -> memref<1000000x128xf32, #tpu.memory_space<hbm>>
        tpu.wait_indirect_dma semaphore(%arg17 : memref<!tpu.dma_semaphore, #tpu.memory_space<semaphore_mem>>) src(%dma_wait3A_1400 : memref<1000000x128xf32, #tpu.memory_space<hbm>>) dst(%dma_wait3A_1395 : memref<16x128xf32, #tpu.memory_space<vmem>>)
        %dma_wait3A_1401 = arith.constant 80 : i32
        %dma_wait3A_1402 = arith.constant 0 : i32
        %dma_wait3A_1403 = tpu.memref_slice %arg10[%dma_wait3A_1401, %dma_wait3A_1402] : memref<128x128xf32, #tpu.memory_space<vmem>> -> memref<16x128xf32, #tpu.memory_space<vmem>>
        %dma_wait3A_1404 = arith.constant 80 : i32
        %dma_wait3A_1405 = tpu.memref_slice %arg8[%dma_wait3A_1404] : memref<128xi32, #tpu.memory_space<vmem>> -> memref<16xi32, #tpu.memory_space<vmem>>
        %dma_wait3A_1406 = arith.constant 0 : i32
        %dma_wait3A_1407 = arith.constant 0 : i32
        %dma_wait3A_1408 = tpu.memref_slice %arg5[%dma_wait3A_1406, %dma_wait3A_1407] : memref<100000x128xf32, #tpu.memory_space<hbm>> -> memref<100000x128xf32, #tpu.memory_space<hbm>>
        tpu.wait_indirect_dma semaphore(%arg17 : memref<!tpu.dma_semaphore, #tpu.memory_space<semaphore_mem>>) src(%dma_wait3A_1408 : memref<100000x128xf32, #tpu.memory_space<hbm>>) dst(%dma_wait3A_1403 : memref<16x128xf32, #tpu.memory_space<vmem>>)
      } else {
      }
      %eq3A_206 = arith.constant 6 : i32
      %eq3A_207 = arith.cmpi eq, %scan3A_178, %eq3A_206 : i32
      %convert_element_type3A_208 = arith.extui %eq3A_207 : i1 to i32
      %cond3A_209 = arith.constant 0 : i32
      %cond3A_210 = arith.cmpi ne, %convert_element_type3A_208, %cond3A_209 : i32
      scf.if %cond3A_210 {
        %dma_wait3A_1393 = arith.constant 96 : i32
        %dma_wait3A_1394 = arith.constant 0 : i32
        %dma_wait3A_1395 = tpu.memref_slice %arg9[%dma_wait3A_1393, %dma_wait3A_1394] : memref<128x128xf32, #tpu.memory_space<vmem>> -> memref<16x128xf32, #tpu.memory_space<vmem>>
        %dma_wait3A_1396 = arith.constant 96 : i32
        %dma_wait3A_1397 = tpu.memref_slice %arg7[%dma_wait3A_1396] : memref<128xi32, #tpu.memory_space<vmem>> -> memref<16xi32, #tpu.memory_space<vmem>>
        %dma_wait3A_1398 = arith.constant 0 : i32
        %dma_wait3A_1399 = arith.constant 0 : i32
        %dma_wait3A_1400 = tpu.memref_slice %arg4[%dma_wait3A_1398, %dma_wait3A_1399] : memref<1000000x128xf32, #tpu.memory_space<hbm>> -> memref<1000000x128xf32, #tpu.memory_space<hbm>>
        tpu.wait_indirect_dma semaphore(%arg18 : memref<!tpu.dma_semaphore, #tpu.memory_space<semaphore_mem>>) src(%dma_wait3A_1400 : memref<1000000x128xf32, #tpu.memory_space<hbm>>) dst(%dma_wait3A_1395 : memref<16x128xf32, #tpu.memory_space<vmem>>)
        %dma_wait3A_1401 = arith.constant 96 : i32
        %dma_wait3A_1402 = arith.constant 0 : i32
        %dma_wait3A_1403 = tpu.memref_slice %arg10[%dma_wait3A_1401, %dma_wait3A_1402] : memref<128x128xf32, #tpu.memory_space<vmem>> -> memref<16x128xf32, #tpu.memory_space<vmem>>
        %dma_wait3A_1404 = arith.constant 96 : i32
        %dma_wait3A_1405 = tpu.memref_slice %arg8[%dma_wait3A_1404] : memref<128xi32, #tpu.memory_space<vmem>> -> memref<16xi32, #tpu.memory_space<vmem>>
        %dma_wait3A_1406 = arith.constant 0 : i32
        %dma_wait3A_1407 = arith.constant 0 : i32
        %dma_wait3A_1408 = tpu.memref_slice %arg5[%dma_wait3A_1406, %dma_wait3A_1407] : memref<100000x128xf32, #tpu.memory_space<hbm>> -> memref<100000x128xf32, #tpu.memory_space<hbm>>
        tpu.wait_indirect_dma semaphore(%arg18 : memref<!tpu.dma_semaphore, #tpu.memory_space<semaphore_mem>>) src(%dma_wait3A_1408 : memref<100000x128xf32, #tpu.memory_space<hbm>>) dst(%dma_wait3A_1403 : memref<16x128xf32, #tpu.memory_space<vmem>>)
      } else {
      }
      %eq3A_211 = arith.constant 7 : i32
      %eq3A_212 = arith.cmpi eq, %scan3A_178, %eq3A_211 : i32
      %convert_element_type3A_213 = arith.extui %eq3A_212 : i1 to i32
      %cond3A_214 = arith.constant 0 : i32
      %cond3A_215 = arith.cmpi ne, %convert_element_type3A_213, %cond3A_214 : i32
      scf.if %cond3A_215 {
        %dma_wait3A_1393 = arith.constant 112 : i32
        %dma_wait3A_1394 = arith.constant 0 : i32
        %dma_wait3A_1395 = tpu.memref_slice %arg9[%dma_wait3A_1393, %dma_wait3A_1394] : memref<128x128xf32, #tpu.memory_space<vmem>> -> memref<16x128xf32, #tpu.memory_space<vmem>>
        %dma_wait3A_1396 = arith.constant 112 : i32
        %dma_wait3A_1397 = tpu.memref_slice %arg7[%dma_wait3A_1396] : memref<128xi32, #tpu.memory_space<vmem>> -> memref<16xi32, #tpu.memory_space<vmem>>
        %dma_wait3A_1398 = arith.constant 0 : i32
        %dma_wait3A_1399 = arith.constant 0 : i32
        %dma_wait3A_1400 = tpu.memref_slice %arg4[%dma_wait3A_1398, %dma_wait3A_1399] : memref<1000000x128xf32, #tpu.memory_space<hbm>> -> memref<1000000x128xf32, #tpu.memory_space<hbm>>
        tpu.wait_indirect_dma semaphore(%arg19 : memref<!tpu.dma_semaphore, #tpu.memory_space<semaphore_mem>>) src(%dma_wait3A_1400 : memref<1000000x128xf32, #tpu.memory_space<hbm>>) dst(%dma_wait3A_1395 : memref<16x128xf32, #tpu.memory_space<vmem>>)
        %dma_wait3A_1401 = arith.constant 112 : i32
        %dma_wait3A_1402 = arith.constant 0 : i32
        %dma_wait3A_1403 = tpu.memref_slice %arg10[%dma_wait3A_1401, %dma_wait3A_1402] : memref<128x128xf32, #tpu.memory_space<vmem>> -> memref<16x128xf32, #tpu.memory_space<vmem>>
        %dma_wait3A_1404 = arith.constant 112 : i32
        %dma_wait3A_1405 = tpu.memref_slice %arg8[%dma_wait3A_1404] : memref<128xi32, #tpu.memory_space<vmem>> -> memref<16xi32, #tpu.memory_space<vmem>>
        %dma_wait3A_1406 = arith.constant 0 : i32
        %dma_wait3A_1407 = arith.constant 0 : i32
        %dma_wait3A_1408 = tpu.memref_slice %arg5[%dma_wait3A_1406, %dma_wait3A_1407] : memref<100000x128xf32, #tpu.memory_space<hbm>> -> memref<100000x128xf32, #tpu.memory_space<hbm>>
        tpu.wait_indirect_dma semaphore(%arg19 : memref<!tpu.dma_semaphore, #tpu.memory_space<semaphore_mem>>) src(%dma_wait3A_1408 : memref<100000x128xf32, #tpu.memory_space<hbm>>) dst(%dma_wait3A_1403 : memref<16x128xf32, #tpu.memory_space<vmem>>)
      } else {
      }
      %mul3A_216 = arith.constant 16 : i32
      %mul3A_217 = arith.muli %scan3A_178, %mul3A_216 : i32
      %add3A_218 = arith.constant 0 : i32
      %add3A_219 = arith.addi %mul3A_217, %add3A_218 : i32
      %get3A = arith.index_cast %add3A_219 : i32 to index
      %get3A_220 = arith.constant 0 : index
      %get3A_221 = tpu.vector_load %arg9[%get3A, %get3A_220] {strides = array<i32>} : memref<128x128xf32, #tpu.memory_space<vmem>>, vector<16xf32>,
      %get3A_222 = arith.index_cast %add3A_219 : i32 to index
      %get3A_223 = arith.constant 0 : index
      %get3A_224 = tpu.vector_load %arg10[%get3A_222, %get3A_223] {strides = array<i32>} : memref<128x128xf32, #tpu.memory_space<vmem>>, vector<16xf32>,
      %mul3A_225 = arith.mulf %get3A_221, %get3A_224 : vector<16xf32>
      %get3A_226 = arith.index_cast %add3A_219 : i32 to index
      %get3A_227 = arith.constant 16 : index
      %get3A_228 = tpu.vector_load %arg9[%get3A_226, %get3A_227] {strides = array<i32>} : memref<128x128xf32, #tpu.memory_space<vmem>>, vector<16xf32>,
      %get3A_229 = arith.index_cast %add3A_219 : i32 to index
      %get3A_230 = arith.constant 16 : index
      %get3A_231 = tpu.vector_load %arg10[%get3A_229, %get3A_230] {strides = array<i32>} : memref<128x128xf32, #tpu.memory_space<vmem>>, vector<16xf32>,
      %mul3A_232 = arith.mulf %get3A_228, %get3A_231 : vector<16xf32>
      %get3A_233 = arith.index_cast %add3A_219 : i32 to index
      %get3A_234 = arith.constant 32 : index
      %get3A_235 = tpu.vector_load %arg9[%get3A_233, %get3A_234] {strides = array<i32>} : memref<128x128xf32, #tpu.memory_space<vmem>>, vector<16xf32>,
      %get3A_236 = arith.index_cast %add3A_219 : i32 to index
      %get3A_237 = arith.constant 32 : index
      %get3A_238 = tpu.vector_load %arg10[%get3A_236, %get3A_237] {strides = array<i32>} : memref<128x128xf32, #tpu.memory_space<vmem>>, vector<16xf32>,
      %mul3A_239 = arith.mulf %get3A_235, %get3A_238 : vector<16xf32>
      %get3A_240 = arith.index_cast %add3A_219 : i32 to index
      %get3A_241 = arith.constant 48 : index
      %get3A_242 = tpu.vector_load %arg9[%get3A_240, %get3A_241] {strides = array<i32>} : memref<128x128xf32, #tpu.memory_space<vmem>>, vector<16xf32>,
      %get3A_243 = arith.index_cast %add3A_219 : i32 to index
      %get3A_244 = arith.constant 48 : index
      %get3A_245 = tpu.vector_load %arg10[%get3A_243, %get3A_244] {strides = array<i32>} : memref<128x128xf32, #tpu.memory_space<vmem>>, vector<16xf32>,
      %mul3A_246 = arith.mulf %get3A_242, %get3A_245 : vector<16xf32>
      %get3A_247 = arith.index_cast %add3A_219 : i32 to index
      %get3A_248 = arith.constant 64 : index
      %get3A_249 = tpu.vector_load %arg9[%get3A_247, %get3A_248] {strides = array<i32>} : memref<128x128xf32, #tpu.memory_space<vmem>>, vector<16xf32>,
      %get3A_250 = arith.index_cast %add3A_219 : i32 to index
      %get3A_251 = arith.constant 64 : index
      %get3A_252 = tpu.vector_load %arg10[%get3A_250, %get3A_251] {strides = array<i32>} : memref<128x128xf32, #tpu.memory_space<vmem>>, vector<16xf32>,
      %mul3A_253 = arith.mulf %get3A_249, %get3A_252 : vector<16xf32>
      %get3A_254 = arith.index_cast %add3A_219 : i32 to index
      %get3A_255 = arith.constant 80 : index
      %get3A_256 = tpu.vector_load %arg9[%get3A_254, %get3A_255] {strides = array<i32>} : memref<128x128xf32, #tpu.memory_space<vmem>>, vector<16xf32>,
      %get3A_257 = arith.index_cast %add3A_219 : i32 to index
      %get3A_258 = arith.constant 80 : index
      %get3A_259 = tpu.vector_load %arg10[%get3A_257, %get3A_258] {strides = array<i32>} : memref<128x128xf32, #tpu.memory_space<vmem>>, vector<16xf32>,
      %mul3A_260 = arith.mulf %get3A_256, %get3A_259 : vector<16xf32>
      %get3A_261 = arith.index_cast %add3A_219 : i32 to index
      %get3A_262 = arith.constant 96 : index
      %get3A_263 = tpu.vector_load %arg9[%get3A_261, %get3A_262] {strides = array<i32>} : memref<128x128xf32, #tpu.memory_space<vmem>>, vector<16xf32>,
      %get3A_264 = arith.index_cast %add3A_219 : i32 to index
      %get3A_265 = arith.constant 96 : index
      %get3A_266 = tpu.vector_load %arg10[%get3A_264, %get3A_265] {strides = array<i32>} : memref<128x128xf32, #tpu.memory_space<vmem>>, vector<16xf32>,
      %mul3A_267 = arith.mulf %get3A_263, %get3A_266 : vector<16xf32>
      %get3A_268 = arith.index_cast %add3A_219 : i32 to index
      %get3A_269 = arith.constant 112 : index
      %get3A_270 = tpu.vector_load %arg9[%get3A_268, %get3A_269] {strides = array<i32>} : memref<128x128xf32, #tpu.memory_space<vmem>>, vector<16xf32>,
      %get3A_271 = arith.index_cast %add3A_219 : i32 to index
      %get3A_272 = arith.constant 112 : index
      %get3A_273 = tpu.vector_load %arg10[%get3A_271, %get3A_272] {strides = array<i32>} : memref<128x128xf32, #tpu.memory_space<vmem>>, vector<16xf32>,
      %mul3A_274 = arith.mulf %get3A_270, %get3A_273 : vector<16xf32>
      %add3A_275 = arith.addf %mul3A_225, %mul3A_232 : vector<16xf32>
      %add3A_276 = arith.addf %mul3A_239, %mul3A_246 : vector<16xf32>
      %add3A_277 = arith.addf %mul3A_253, %mul3A_260 : vector<16xf32>
      %add3A_278 = arith.addf %mul3A_267, %mul3A_274 : vector<16xf32>
      %add3A_279 = arith.addf %add3A_275, %add3A_276 : vector<16xf32>
      %add3A_280 = arith.addf %add3A_277, %add3A_278 : vector<16xf32>
      %add3A_281 = arith.addf %add3A_279, %add3A_280 : vector<16xf32>
      %mul3A_282 = arith.constant 16 : i32
      %mul3A_283 = arith.muli %scan3A_178, %mul3A_282 : i32
      %add3A_284 = arith.constant 1 : i32
      %add3A_285 = arith.addi %mul3A_283, %add3A_284 : i32
      %get3A_286 = arith.index_cast %add3A_285 : i32 to index
      %get3A_287 = arith.constant 0 : index
      %get3A_288 = tpu.vector_load %arg9[%get3A_286, %get3A_287] {strides = array<i32>} : memref<128x128xf32, #tpu.memory_space<vmem>>, vector<16xf32>,
      %get3A_289 = arith.index_cast %add3A_285 : i32 to index
      %get3A_290 = arith.constant 0 : index
      %get3A_291 = tpu.vector_load %arg10[%get3A_289, %get3A_290] {strides = array<i32>} : memref<128x128xf32, #tpu.memory_space<vmem>>, vector<16xf32>,
      %mul3A_292 = arith.mulf %get3A_288, %get3A_291 : vector<16xf32>
      %get3A_293 = arith.index_cast %add3A_285 : i32 to index
      %get3A_294 = arith.constant 16 : index
      %get3A_295 = tpu.vector_load %arg9[%get3A_293, %get3A_294] {strides = array<i32>} : memref<128x128xf32, #tpu.memory_space<vmem>>, vector<16xf32>,
      %get3A_296 = arith.index_cast %add3A_285 : i32 to index
      %get3A_297 = arith.constant 16 : index
      %get3A_298 = tpu.vector_load %arg10[%get3A_296, %get3A_297] {strides = array<i32>} : memref<128x128xf32, #tpu.memory_space<vmem>>, vector<16xf32>,
      %mul3A_299 = arith.mulf %get3A_295, %get3A_298 : vector<16xf32>
      %get3A_300 = arith.index_cast %add3A_285 : i32 to index
      %get3A_301 = arith.constant 32 : index
      %get3A_302 = tpu.vector_load %arg9[%get3A_300, %get3A_301] {strides = array<i32>} : memref<128x128xf32, #tpu.memory_space<vmem>>, vector<16xf32>,
      %get3A_303 = arith.index_cast %add3A_285 : i32 to index
      %get3A_304 = arith.constant 32 : index
      %get3A_305 = tpu.vector_load %arg10[%get3A_303, %get3A_304] {strides = array<i32>} : memref<128x128xf32, #tpu.memory_space<vmem>>, vector<16xf32>,
      %mul3A_306 = arith.mulf %get3A_302, %get3A_305 : vector<16xf32>
      %get3A_307 = arith.index_cast %add3A_285 : i32 to index
      %get3A_308 = arith.constant 48 : index
      %get3A_309 = tpu.vector_load %arg9[%get3A_307, %get3A_308] {strides = array<i32>} : memref<128x128xf32, #tpu.memory_space<vmem>>, vector<16xf32>,
      %get3A_310 = arith.index_cast %add3A_285 : i32 to index
      %get3A_311 = arith.constant 48 : index
      %get3A_312 = tpu.vector_load %arg10[%get3A_310, %get3A_311] {strides = array<i32>} : memref<128x128xf32, #tpu.memory_space<vmem>>, vector<16xf32>,
      %mul3A_313 = arith.mulf %get3A_309, %get3A_312 : vector<16xf32>
      %get3A_314 = arith.index_cast %add3A_285 : i32 to index
      %get3A_315 = arith.constant 64 : index
      %get3A_316 = tpu.vector_load %arg9[%get3A_314, %get3A_315] {strides = array<i32>} : memref<128x128xf32, #tpu.memory_space<vmem>>, vector<16xf32>,
      %get3A_317 = arith.index_cast %add3A_285 : i32 to index
      %get3A_318 = arith.constant 64 : index
      %get3A_319 = tpu.vector_load %arg10[%get3A_317, %get3A_318] {strides = array<i32>} : memref<128x128xf32, #tpu.memory_space<vmem>>, vector<16xf32>,
      %mul3A_320 = arith.mulf %get3A_316, %get3A_319 : vector<16xf32>
      %get3A_321 = arith.index_cast %add3A_285 : i32 to index
      %get3A_322 = arith.constant 80 : index
      %get3A_323 = tpu.vector_load %arg9[%get3A_321, %get3A_322] {strides = array<i32>} : memref<128x128xf32, #tpu.memory_space<vmem>>, vector<16xf32>,
      %get3A_324 = arith.index_cast %add3A_285 : i32 to index
      %get3A_325 = arith.constant 80 : index
      %get3A_326 = tpu.vector_load %arg10[%get3A_324, %get3A_325] {strides = array<i32>} : memref<128x128xf32, #tpu.memory_space<vmem>>, vector<16xf32>,
      %mul3A_327 = arith.mulf %get3A_323, %get3A_326 : vector<16xf32>
      %get3A_328 = arith.index_cast %add3A_285 : i32 to index
      %get3A_329 = arith.constant 96 : index
      %get3A_330 = tpu.vector_load %arg9[%get3A_328, %get3A_329] {strides = array<i32>} : memref<128x128xf32, #tpu.memory_space<vmem>>, vector<16xf32>,
      %get3A_331 = arith.index_cast %add3A_285 : i32 to index
      %get3A_332 = arith.constant 96 : index
      %get3A_333 = tpu.vector_load %arg10[%get3A_331, %get3A_332] {strides = array<i32>} : memref<128x128xf32, #tpu.memory_space<vmem>>, vector<16xf32>,
      %mul3A_334 = arith.mulf %get3A_330, %get3A_333 : vector<16xf32>
      %get3A_335 = arith.index_cast %add3A_285 : i32 to index
      %get3A_336 = arith.constant 112 : index
      %get3A_337 = tpu.vector_load %arg9[%get3A_335, %get3A_336] {strides = array<i32>} : memref<128x128xf32, #tpu.memory_space<vmem>>, vector<16xf32>,
      %get3A_338 = arith.index_cast %add3A_285 : i32 to index
      %get3A_339 = arith.constant 112 : index
      %get3A_340 = tpu.vector_load %arg10[%get3A_338, %get3A_339] {strides = array<i32>} : memref<128x128xf32, #tpu.memory_space<vmem>>, vector<16xf32>,
      %mul3A_341 = arith.mulf %get3A_337, %get3A_340 : vector<16xf32>
      %add3A_342 = arith.addf %mul3A_292, %mul3A_299 : vector<16xf32>
      %add3A_343 = arith.addf %mul3A_306, %mul3A_313 : vector<16xf32>
      %add3A_344 = arith.addf %mul3A_320, %mul3A_327 : vector<16xf32>
      %add3A_345 = arith.addf %mul3A_334, %mul3A_341 : vector<16xf32>
      %add3A_346 = arith.addf %add3A_342, %add3A_343 : vector<16xf32>
      %add3A_347 = arith.addf %add3A_344, %add3A_345 : vector<16xf32>
      %add3A_348 = arith.addf %add3A_346, %add3A_347 : vector<16xf32>
      %mul3A_349 = arith.constant 16 : i32
      %mul3A_350 = arith.muli %scan3A_178, %mul3A_349 : i32
      %add3A_351 = arith.constant 2 : i32
      %add3A_352 = arith.addi %mul3A_350, %add3A_351 : i32
      %get3A_353 = arith.index_cast %add3A_352 : i32 to index
      %get3A_354 = arith.constant 0 : index
      %get3A_355 = tpu.vector_load %arg9[%get3A_353, %get3A_354] {strides = array<i32>} : memref<128x128xf32, #tpu.memory_space<vmem>>, vector<16xf32>,
      %get3A_356 = arith.index_cast %add3A_352 : i32 to index
      %get3A_357 = arith.constant 0 : index
      %get3A_358 = tpu.vector_load %arg10[%get3A_356, %get3A_357] {strides = array<i32>} : memref<128x128xf32, #tpu.memory_space<vmem>>, vector<16xf32>,
      %mul3A_359 = arith.mulf %get3A_355, %get3A_358 : vector<16xf32>
      %get3A_360 = arith.index_cast %add3A_352 : i32 to index
      %get3A_361 = arith.constant 16 : index
      %get3A_362 = tpu.vector_load %arg9[%get3A_360, %get3A_361] {strides = array<i32>} : memref<128x128xf32, #tpu.memory_space<vmem>>, vector<16xf32>,
      %get3A_363 = arith.index_cast %add3A_352 : i32 to index
      %get3A_364 = arith.constant 16 : index
      %get3A_365 = tpu.vector_load %arg10[%get3A_363, %get3A_364] {strides = array<i32>} : memref<128x128xf32, #tpu.memory_space<vmem>>, vector<16xf32>,
      %mul3A_366 = arith.mulf %get3A_362, %get3A_365 : vector<16xf32>
      %get3A_367 = arith.index_cast %add3A_352 : i32 to index
      %get3A_368 = arith.constant 32 : index
      %get3A_369 = tpu.vector_load %arg9[%get3A_367, %get3A_368] {strides = array<i32>} : memref<128x128xf32, #tpu.memory_space<vmem>>, vector<16xf32>,
      %get3A_370 = arith.index_cast %add3A_352 : i32 to index
      %get3A_371 = arith.constant 32 : index
      %get3A_372 = tpu.vector_load %arg10[%get3A_370, %get3A_371] {strides = array<i32>} : memref<128x128xf32, #tpu.memory_space<vmem>>, vector<16xf32>,
      %mul3A_373 = arith.mulf %get3A_369, %get3A_372 : vector<16xf32>
      %get3A_374 = arith.index_cast %add3A_352 : i32 to index
      %get3A_375 = arith.constant 48 : index
      %get3A_376 = tpu.vector_load %arg9[%get3A_374, %get3A_375] {strides = array<i32>} : memref<128x128xf32, #tpu.memory_space<vmem>>, vector<16xf32>,
      %get3A_377 = arith.index_cast %add3A_352 : i32 to index
      %get3A_378 = arith.constant 48 : index
      %get3A_379 = tpu.vector_load %arg10[%get3A_377, %get3A_378] {strides = array<i32>} : memref<128x128xf32, #tpu.memory_space<vmem>>, vector<16xf32>,
      %mul3A_380 = arith.mulf %get3A_376, %get3A_379 : vector<16xf32>
      %get3A_381 = arith.index_cast %add3A_352 : i32 to index
      %get3A_382 = arith.constant 64 : index
      %get3A_383 = tpu.vector_load %arg9[%get3A_381, %get3A_382] {strides = array<i32>} : memref<128x128xf32, #tpu.memory_space<vmem>>, vector<16xf32>,
      %get3A_384 = arith.index_cast %add3A_352 : i32 to index
      %get3A_385 = arith.constant 64 : index
      %get3A_386 = tpu.vector_load %arg10[%get3A_384, %get3A_385] {strides = array<i32>} : memref<128x128xf32, #tpu.memory_space<vmem>>, vector<16xf32>,
      %mul3A_387 = arith.mulf %get3A_383, %get3A_386 : vector<16xf32>
      %get3A_388 = arith.index_cast %add3A_352 : i32 to index
      %get3A_389 = arith.constant 80 : index
      %get3A_390 = tpu.vector_load %arg9[%get3A_388, %get3A_389] {strides = array<i32>} : memref<128x128xf32, #tpu.memory_space<vmem>>, vector<16xf32>,
      %get3A_391 = arith.index_cast %add3A_352 : i32 to index
      %get3A_392 = arith.constant 80 : index
      %get3A_393 = tpu.vector_load %arg10[%get3A_391, %get3A_392] {strides = array<i32>} : memref<128x128xf32, #tpu.memory_space<vmem>>, vector<16xf32>,
      %mul3A_394 = arith.mulf %get3A_390, %get3A_393 : vector<16xf32>
      %get3A_395 = arith.index_cast %add3A_352 : i32 to index
      %get3A_396 = arith.constant 96 : index
      %get3A_397 = tpu.vector_load %arg9[%get3A_395, %get3A_396] {strides = array<i32>} : memref<128x128xf32, #tpu.memory_space<vmem>>, vector<16xf32>,
      %get3A_398 = arith.index_cast %add3A_352 : i32 to index
      %get3A_399 = arith.constant 96 : index
      %get3A_400 = tpu.vector_load %arg10[%get3A_398, %get3A_399] {strides = array<i32>} : memref<128x128xf32, #tpu.memory_space<vmem>>, vector<16xf32>,
      %mul3A_401 = arith.mulf %get3A_397, %get3A_400 : vector<16xf32>
      %get3A_402 = arith.index_cast %add3A_352 : i32 to index
      %get3A_403 = arith.constant 112 : index
      %get3A_404 = tpu.vector_load %arg9[%get3A_402, %get3A_403] {strides = array<i32>} : memref<128x128xf32, #tpu.memory_space<vmem>>, vector<16xf32>,
      %get3A_405 = arith.index_cast %add3A_352 : i32 to index
      %get3A_406 = arith.constant 112 : index
      %get3A_407 = tpu.vector_load %arg10[%get3A_405, %get3A_406] {strides = array<i32>} : memref<128x128xf32, #tpu.memory_space<vmem>>, vector<16xf32>,
      %mul3A_408 = arith.mulf %get3A_404, %get3A_407 : vector<16xf32>
      %add3A_409 = arith.addf %mul3A_359, %mul3A_366 : vector<16xf32>
      %add3A_410 = arith.addf %mul3A_373, %mul3A_380 : vector<16xf32>
      %add3A_411 = arith.addf %mul3A_387, %mul3A_394 : vector<16xf32>
      %add3A_412 = arith.addf %mul3A_401, %mul3A_408 : vector<16xf32>
      %add3A_413 = arith.addf %add3A_409, %add3A_410 : vector<16xf32>
      %add3A_414 = arith.addf %add3A_411, %add3A_412 : vector<16xf32>
      %add3A_415 = arith.addf %add3A_413, %add3A_414 : vector<16xf32>
      %mul3A_416 = arith.constant 16 : i32
      %mul3A_417 = arith.muli %scan3A_178, %mul3A_416 : i32
      %add3A_418 = arith.constant 3 : i32
      %add3A_419 = arith.addi %mul3A_417, %add3A_418 : i32
      %get3A_420 = arith.index_cast %add3A_419 : i32 to index
      %get3A_421 = arith.constant 0 : index
      %get3A_422 = tpu.vector_load %arg9[%get3A_420, %get3A_421] {strides = array<i32>} : memref<128x128xf32, #tpu.memory_space<vmem>>, vector<16xf32>,
      %get3A_423 = arith.index_cast %add3A_419 : i32 to index
      %get3A_424 = arith.constant 0 : index
      %get3A_425 = tpu.vector_load %arg10[%get3A_423, %get3A_424] {strides = array<i32>} : memref<128x128xf32, #tpu.memory_space<vmem>>, vector<16xf32>,
      %mul3A_426 = arith.mulf %get3A_422, %get3A_425 : vector<16xf32>
      %get3A_427 = arith.index_cast %add3A_419 : i32 to index
      %get3A_428 = arith.constant 16 : index
      %get3A_429 = tpu.vector_load %arg9[%get3A_427, %get3A_428] {strides = array<i32>} : memref<128x128xf32, #tpu.memory_space<vmem>>, vector<16xf32>,
      %get3A_430 = arith.index_cast %add3A_419 : i32 to index
      %get3A_431 = arith.constant 16 : index
      %get3A_432 = tpu.vector_load %arg10[%get3A_430, %get3A_431] {strides = array<i32>} : memref<128x128xf32, #tpu.memory_space<vmem>>, vector<16xf32>,
      %mul3A_433 = arith.mulf %get3A_429, %get3A_432 : vector<16xf32>
      %get3A_434 = arith.index_cast %add3A_419 : i32 to index
      %get3A_435 = arith.constant 32 : index
      %get3A_436 = tpu.vector_load %arg9[%get3A_434, %get3A_435] {strides = array<i32>} : memref<128x128xf32, #tpu.memory_space<vmem>>, vector<16xf32>,
      %get3A_437 = arith.index_cast %add3A_419 : i32 to index
      %get3A_438 = arith.constant 32 : index
      %get3A_439 = tpu.vector_load %arg10[%get3A_437, %get3A_438] {strides = array<i32>} : memref<128x128xf32, #tpu.memory_space<vmem>>, vector<16xf32>,
      %mul3A_440 = arith.mulf %get3A_436, %get3A_439 : vector<16xf32>
      %get3A_441 = arith.index_cast %add3A_419 : i32 to index
      %get3A_442 = arith.constant 48 : index
      %get3A_443 = tpu.vector_load %arg9[%get3A_441, %get3A_442] {strides = array<i32>} : memref<128x128xf32, #tpu.memory_space<vmem>>, vector<16xf32>,
      %get3A_444 = arith.index_cast %add3A_419 : i32 to index
      %get3A_445 = arith.constant 48 : index
      %get3A_446 = tpu.vector_load %arg10[%get3A_444, %get3A_445] {strides = array<i32>} : memref<128x128xf32, #tpu.memory_space<vmem>>, vector<16xf32>,
      %mul3A_447 = arith.mulf %get3A_443, %get3A_446 : vector<16xf32>
      %get3A_448 = arith.index_cast %add3A_419 : i32 to index
      %get3A_449 = arith.constant 64 : index
      %get3A_450 = tpu.vector_load %arg9[%get3A_448, %get3A_449] {strides = array<i32>} : memref<128x128xf32, #tpu.memory_space<vmem>>, vector<16xf32>,
      %get3A_451 = arith.index_cast %add3A_419 : i32 to index
      %get3A_452 = arith.constant 64 : index
      %get3A_453 = tpu.vector_load %arg10[%get3A_451, %get3A_452] {strides = array<i32>} : memref<128x128xf32, #tpu.memory_space<vmem>>, vector<16xf32>,
      %mul3A_454 = arith.mulf %get3A_450, %get3A_453 : vector<16xf32>
      %get3A_455 = arith.index_cast %add3A_419 : i32 to index
      %get3A_456 = arith.constant 80 : index
      %get3A_457 = tpu.vector_load %arg9[%get3A_455, %get3A_456] {strides = array<i32>} : memref<128x128xf32, #tpu.memory_space<vmem>>, vector<16xf32>,
      %get3A_458 = arith.index_cast %add3A_419 : i32 to index
      %get3A_459 = arith.constant 80 : index
      %get3A_460 = tpu.vector_load %arg10[%get3A_458, %get3A_459] {strides = array<i32>} : memref<128x128xf32, #tpu.memory_space<vmem>>, vector<16xf32>,
      %mul3A_461 = arith.mulf %get3A_457, %get3A_460 : vector<16xf32>
      %get3A_462 = arith.index_cast %add3A_419 : i32 to index
      %get3A_463 = arith.constant 96 : index
      %get3A_464 = tpu.vector_load %arg9[%get3A_462, %get3A_463] {strides = array<i32>} : memref<128x128xf32, #tpu.memory_space<vmem>>, vector<16xf32>,
      %get3A_465 = arith.index_cast %add3A_419 : i32 to index
      %get3A_466 = arith.constant 96 : index
      %get3A_467 = tpu.vector_load %arg10[%get3A_465, %get3A_466] {strides = array<i32>} : memref<128x128xf32, #tpu.memory_space<vmem>>, vector<16xf32>,
      %mul3A_468 = arith.mulf %get3A_464, %get3A_467 : vector<16xf32>
      %get3A_469 = arith.index_cast %add3A_419 : i32 to index
      %get3A_470 = arith.constant 112 : index
      %get3A_471 = tpu.vector_load %arg9[%get3A_469, %get3A_470] {strides = array<i32>} : memref<128x128xf32, #tpu.memory_space<vmem>>, vector<16xf32>,
      %get3A_472 = arith.index_cast %add3A_419 : i32 to index
      %get3A_473 = arith.constant 112 : index
      %get3A_474 = tpu.vector_load %arg10[%get3A_472, %get3A_473] {strides = array<i32>} : memref<128x128xf32, #tpu.memory_space<vmem>>, vector<16xf32>,
      %mul3A_475 = arith.mulf %get3A_471, %get3A_474 : vector<16xf32>
      %add3A_476 = arith.addf %mul3A_426, %mul3A_433 : vector<16xf32>
      %add3A_477 = arith.addf %mul3A_440, %mul3A_447 : vector<16xf32>
      %add3A_478 = arith.addf %mul3A_454, %mul3A_461 : vector<16xf32>
      %add3A_479 = arith.addf %mul3A_468, %mul3A_475 : vector<16xf32>
      %add3A_480 = arith.addf %add3A_476, %add3A_477 : vector<16xf32>
      %add3A_481 = arith.addf %add3A_478, %add3A_479 : vector<16xf32>
      %add3A_482 = arith.addf %add3A_480, %add3A_481 : vector<16xf32>
      %mul3A_483 = arith.constant 16 : i32
      %mul3A_484 = arith.muli %scan3A_178, %mul3A_483 : i32
      %add3A_485 = arith.constant 4 : i32
      %add3A_486 = arith.addi %mul3A_484, %add3A_485 : i32
      %get3A_487 = arith.index_cast %add3A_486 : i32 to index
      %get3A_488 = arith.constant 0 : index
      %get3A_489 = tpu.vector_load %arg9[%get3A_487, %get3A_488] {strides = array<i32>} : memref<128x128xf32, #tpu.memory_space<vmem>>, vector<16xf32>,
      %get3A_490 = arith.index_cast %add3A_486 : i32 to index
      %get3A_491 = arith.constant 0 : index
      %get3A_492 = tpu.vector_load %arg10[%get3A_490, %get3A_491] {strides = array<i32>} : memref<128x128xf32, #tpu.memory_space<vmem>>, vector<16xf32>,
      %mul3A_493 = arith.mulf %get3A_489, %get3A_492 : vector<16xf32>
      %get3A_494 = arith.index_cast %add3A_486 : i32 to index
      %get3A_495 = arith.constant 16 : index
      %get3A_496 = tpu.vector_load %arg9[%get3A_494, %get3A_495] {strides = array<i32>} : memref<128x128xf32, #tpu.memory_space<vmem>>, vector<16xf32>,
      %get3A_497 = arith.index_cast %add3A_486 : i32 to index
      %get3A_498 = arith.constant 16 : index
      %get3A_499 = tpu.vector_load %arg10[%get3A_497, %get3A_498] {strides = array<i32>} : memref<128x128xf32, #tpu.memory_space<vmem>>, vector<16xf32>,
      %mul3A_500 = arith.mulf %get3A_496, %get3A_499 : vector<16xf32>
      %get3A_501 = arith.index_cast %add3A_486 : i32 to index
      %get3A_502 = arith.constant 32 : index
      %get3A_503 = tpu.vector_load %arg9[%get3A_501, %get3A_502] {strides = array<i32>} : memref<128x128xf32, #tpu.memory_space<vmem>>, vector<16xf32>,
      %get3A_504 = arith.index_cast %add3A_486 : i32 to index
      %get3A_505 = arith.constant 32 : index
      %get3A_506 = tpu.vector_load %arg10[%get3A_504, %get3A_505] {strides = array<i32>} : memref<128x128xf32, #tpu.memory_space<vmem>>, vector<16xf32>,
      %mul3A_507 = arith.mulf %get3A_503, %get3A_506 : vector<16xf32>
      %get3A_508 = arith.index_cast %add3A_486 : i32 to index
      %get3A_509 = arith.constant 48 : index
      %get3A_510 = tpu.vector_load %arg9[%get3A_508, %get3A_509] {strides = array<i32>} : memref<128x128xf32, #tpu.memory_space<vmem>>, vector<16xf32>,
      %get3A_511 = arith.index_cast %add3A_486 : i32 to index
      %get3A_512 = arith.constant 48 : index
      %get3A_513 = tpu.vector_load %arg10[%get3A_511, %get3A_512] {strides = array<i32>} : memref<128x128xf32, #tpu.memory_space<vmem>>, vector<16xf32>,
      %mul3A_514 = arith.mulf %get3A_510, %get3A_513 : vector<16xf32>
      %get3A_515 = arith.index_cast %add3A_486 : i32 to index
      %get3A_516 = arith.constant 64 : index
      %get3A_517 = tpu.vector_load %arg9[%get3A_515, %get3A_516] {strides = array<i32>} : memref<128x128xf32, #tpu.memory_space<vmem>>, vector<16xf32>,
      %get3A_518 = arith.index_cast %add3A_486 : i32 to index
      %get3A_519 = arith.constant 64 : index
      %get3A_520 = tpu.vector_load %arg10[%get3A_518, %get3A_519] {strides = array<i32>} : memref<128x128xf32, #tpu.memory_space<vmem>>, vector<16xf32>,
      %mul3A_521 = arith.mulf %get3A_517, %get3A_520 : vector<16xf32>
      %get3A_522 = arith.index_cast %add3A_486 : i32 to index
      %get3A_523 = arith.constant 80 : index
      %get3A_524 = tpu.vector_load %arg9[%get3A_522, %get3A_523] {strides = array<i32>} : memref<128x128xf32, #tpu.memory_space<vmem>>, vector<16xf32>,
      %get3A_525 = arith.index_cast %add3A_486 : i32 to index
      %get3A_526 = arith.constant 80 : index
      %get3A_527 = tpu.vector_load %arg10[%get3A_525, %get3A_526] {strides = array<i32>} : memref<128x128xf32, #tpu.memory_space<vmem>>, vector<16xf32>,
      %mul3A_528 = arith.mulf %get3A_524, %get3A_527 : vector<16xf32>
      %get3A_529 = arith.index_cast %add3A_486 : i32 to index
      %get3A_530 = arith.constant 96 : index
      %get3A_531 = tpu.vector_load %arg9[%get3A_529, %get3A_530] {strides = array<i32>} : memref<128x128xf32, #tpu.memory_space<vmem>>, vector<16xf32>,
      %get3A_532 = arith.index_cast %add3A_486 : i32 to index
      %get3A_533 = arith.constant 96 : index
      %get3A_534 = tpu.vector_load %arg10[%get3A_532, %get3A_533] {strides = array<i32>} : memref<128x128xf32, #tpu.memory_space<vmem>>, vector<16xf32>,
      %mul3A_535 = arith.mulf %get3A_531, %get3A_534 : vector<16xf32>
      %get3A_536 = arith.index_cast %add3A_486 : i32 to index
      %get3A_537 = arith.constant 112 : index
      %get3A_538 = tpu.vector_load %arg9[%get3A_536, %get3A_537] {strides = array<i32>} : memref<128x128xf32, #tpu.memory_space<vmem>>, vector<16xf32>,
      %get3A_539 = arith.index_cast %add3A_486 : i32 to index
      %get3A_540 = arith.constant 112 : index
      %get3A_541 = tpu.vector_load %arg10[%get3A_539, %get3A_540] {strides = array<i32>} : memref<128x128xf32, #tpu.memory_space<vmem>>, vector<16xf32>,
      %mul3A_542 = arith.mulf %get3A_538, %get3A_541 : vector<16xf32>
      %add3A_543 = arith.addf %mul3A_493, %mul3A_500 : vector<16xf32>
      %add3A_544 = arith.addf %mul3A_507, %mul3A_514 : vector<16xf32>
      %add3A_545 = arith.addf %mul3A_521, %mul3A_528 : vector<16xf32>
      %add3A_546 = arith.addf %mul3A_535, %mul3A_542 : vector<16xf32>
      %add3A_547 = arith.addf %add3A_543, %add3A_544 : vector<16xf32>
      %add3A_548 = arith.addf %add3A_545, %add3A_546 : vector<16xf32>
      %add3A_549 = arith.addf %add3A_547, %add3A_548 : vector<16xf32>
      %mul3A_550 = arith.constant 16 : i32
      %mul3A_551 = arith.muli %scan3A_178, %mul3A_550 : i32
      %add3A_552 = arith.constant 5 : i32
      %add3A_553 = arith.addi %mul3A_551, %add3A_552 : i32
      %get3A_554 = arith.index_cast %add3A_553 : i32 to index
      %get3A_555 = arith.constant 0 : index
      %get3A_556 = tpu.vector_load %arg9[%get3A_554, %get3A_555] {strides = array<i32>} : memref<128x128xf32, #tpu.memory_space<vmem>>, vector<16xf32>,
      %get3A_557 = arith.index_cast %add3A_553 : i32 to index
      %get3A_558 = arith.constant 0 : index
      %get3A_559 = tpu.vector_load %arg10[%get3A_557, %get3A_558] {strides = array<i32>} : memref<128x128xf32, #tpu.memory_space<vmem>>, vector<16xf32>,
      %mul3A_560 = arith.mulf %get3A_556, %get3A_559 : vector<16xf32>
      %get3A_561 = arith.index_cast %add3A_553 : i32 to index
      %get3A_562 = arith.constant 16 : index
      %get3A_563 = tpu.vector_load %arg9[%get3A_561, %get3A_562] {strides = array<i32>} : memref<128x128xf32, #tpu.memory_space<vmem>>, vector<16xf32>,
      %get3A_564 = arith.index_cast %add3A_553 : i32 to index
      %get3A_565 = arith.constant 16 : index
      %get3A_566 = tpu.vector_load %arg10[%get3A_564, %get3A_565] {strides = array<i32>} : memref<128x128xf32, #tpu.memory_space<vmem>>, vector<16xf32>,
      %mul3A_567 = arith.mulf %get3A_563, %get3A_566 : vector<16xf32>
      %get3A_568 = arith.index_cast %add3A_553 : i32 to index
      %get3A_569 = arith.constant 32 : index
      %get3A_570 = tpu.vector_load %arg9[%get3A_568, %get3A_569] {strides = array<i32>} : memref<128x128xf32, #tpu.memory_space<vmem>>, vector<16xf32>,
      %get3A_571 = arith.index_cast %add3A_553 : i32 to index
      %get3A_572 = arith.constant 32 : index
      %get3A_573 = tpu.vector_load %arg10[%get3A_571, %get3A_572] {strides = array<i32>} : memref<128x128xf32, #tpu.memory_space<vmem>>, vector<16xf32>,
      %mul3A_574 = arith.mulf %get3A_570, %get3A_573 : vector<16xf32>
      %get3A_575 = arith.index_cast %add3A_553 : i32 to index
      %get3A_576 = arith.constant 48 : index
      %get3A_577 = tpu.vector_load %arg9[%get3A_575, %get3A_576] {strides = array<i32>} : memref<128x128xf32, #tpu.memory_space<vmem>>, vector<16xf32>,
      %get3A_578 = arith.index_cast %add3A_553 : i32 to index
      %get3A_579 = arith.constant 48 : index
      %get3A_580 = tpu.vector_load %arg10[%get3A_578, %get3A_579] {strides = array<i32>} : memref<128x128xf32, #tpu.memory_space<vmem>>, vector<16xf32>,
      %mul3A_581 = arith.mulf %get3A_577, %get3A_580 : vector<16xf32>
      %get3A_582 = arith.index_cast %add3A_553 : i32 to index
      %get3A_583 = arith.constant 64 : index
      %get3A_584 = tpu.vector_load %arg9[%get3A_582, %get3A_583] {strides = array<i32>} : memref<128x128xf32, #tpu.memory_space<vmem>>, vector<16xf32>,
      %get3A_585 = arith.index_cast %add3A_553 : i32 to index
      %get3A_586 = arith.constant 64 : index
      %get3A_587 = tpu.vector_load %arg10[%get3A_585, %get3A_586] {strides = array<i32>} : memref<128x128xf32, #tpu.memory_space<vmem>>, vector<16xf32>,
      %mul3A_588 = arith.mulf %get3A_584, %get3A_587 : vector<16xf32>
      %get3A_589 = arith.index_cast %add3A_553 : i32 to index
      %get3A_590 = arith.constant 80 : index
      %get3A_591 = tpu.vector_load %arg9[%get3A_589, %get3A_590] {strides = array<i32>} : memref<128x128xf32, #tpu.memory_space<vmem>>, vector<16xf32>,
      %get3A_592 = arith.index_cast %add3A_553 : i32 to index
      %get3A_593 = arith.constant 80 : index
      %get3A_594 = tpu.vector_load %arg10[%get3A_592, %get3A_593] {strides = array<i32>} : memref<128x128xf32, #tpu.memory_space<vmem>>, vector<16xf32>,
      %mul3A_595 = arith.mulf %get3A_591, %get3A_594 : vector<16xf32>
      %get3A_596 = arith.index_cast %add3A_553 : i32 to index
      %get3A_597 = arith.constant 96 : index
      %get3A_598 = tpu.vector_load %arg9[%get3A_596, %get3A_597] {strides = array<i32>} : memref<128x128xf32, #tpu.memory_space<vmem>>, vector<16xf32>,
      %get3A_599 = arith.index_cast %add3A_553 : i32 to index
      %get3A_600 = arith.constant 96 : index
      %get3A_601 = tpu.vector_load %arg10[%get3A_599, %get3A_600] {strides = array<i32>} : memref<128x128xf32, #tpu.memory_space<vmem>>, vector<16xf32>,
      %mul3A_602 = arith.mulf %get3A_598, %get3A_601 : vector<16xf32>
      %get3A_603 = arith.index_cast %add3A_553 : i32 to index
      %get3A_604 = arith.constant 112 : index
      %get3A_605 = tpu.vector_load %arg9[%get3A_603, %get3A_604] {strides = array<i32>} : memref<128x128xf32, #tpu.memory_space<vmem>>, vector<16xf32>,
      %get3A_606 = arith.index_cast %add3A_553 : i32 to index
      %get3A_607 = arith.constant 112 : index
      %get3A_608 = tpu.vector_load %arg10[%get3A_606, %get3A_607] {strides = array<i32>} : memref<128x128xf32, #tpu.memory_space<vmem>>, vector<16xf32>,
      %mul3A_609 = arith.mulf %get3A_605, %get3A_608 : vector<16xf32>
      %add3A_610 = arith.addf %mul3A_560, %mul3A_567 : vector<16xf32>
      %add3A_611 = arith.addf %mul3A_574, %mul3A_581 : vector<16xf32>
      %add3A_612 = arith.addf %mul3A_588, %mul3A_595 : vector<16xf32>
      %add3A_613 = arith.addf %mul3A_602, %mul3A_609 : vector<16xf32>
      %add3A_614 = arith.addf %add3A_610, %add3A_611 : vector<16xf32>
      %add3A_615 = arith.addf %add3A_612, %add3A_613 : vector<16xf32>
      %add3A_616 = arith.addf %add3A_614, %add3A_615 : vector<16xf32>
      %mul3A_617 = arith.constant 16 : i32
      %mul3A_618 = arith.muli %scan3A_178, %mul3A_617 : i32
      %add3A_619 = arith.constant 6 : i32
      %add3A_620 = arith.addi %mul3A_618, %add3A_619 : i32
      %get3A_621 = arith.index_cast %add3A_620 : i32 to index
      %get3A_622 = arith.constant 0 : index
      %get3A_623 = tpu.vector_load %arg9[%get3A_621, %get3A_622] {strides = array<i32>} : memref<128x128xf32, #tpu.memory_space<vmem>>, vector<16xf32>,
      %get3A_624 = arith.index_cast %add3A_620 : i32 to index
      %get3A_625 = arith.constant 0 : index
      %get3A_626 = tpu.vector_load %arg10[%get3A_624, %get3A_625] {strides = array<i32>} : memref<128x128xf32, #tpu.memory_space<vmem>>, vector<16xf32>,
      %mul3A_627 = arith.mulf %get3A_623, %get3A_626 : vector<16xf32>
      %get3A_628 = arith.index_cast %add3A_620 : i32 to index
      %get3A_629 = arith.constant 16 : index
      %get3A_630 = tpu.vector_load %arg9[%get3A_628, %get3A_629] {strides = array<i32>} : memref<128x128xf32, #tpu.memory_space<vmem>>, vector<16xf32>,
      %get3A_631 = arith.index_cast %add3A_620 : i32 to index
      %get3A_632 = arith.constant 16 : index
      %get3A_633 = tpu.vector_load %arg10[%get3A_631, %get3A_632] {strides = array<i32>} : memref<128x128xf32, #tpu.memory_space<vmem>>, vector<16xf32>,
      %mul3A_634 = arith.mulf %get3A_630, %get3A_633 : vector<16xf32>
      %get3A_635 = arith.index_cast %add3A_620 : i32 to index
      %get3A_636 = arith.constant 32 : index
      %get3A_637 = tpu.vector_load %arg9[%get3A_635, %get3A_636] {strides = array<i32>} : memref<128x128xf32, #tpu.memory_space<vmem>>, vector<16xf32>,
      %get3A_638 = arith.index_cast %add3A_620 : i32 to index
      %get3A_639 = arith.constant 32 : index
      %get3A_640 = tpu.vector_load %arg10[%get3A_638, %get3A_639] {strides = array<i32>} : memref<128x128xf32, #tpu.memory_space<vmem>>, vector<16xf32>,
      %mul3A_641 = arith.mulf %get3A_637, %get3A_640 : vector<16xf32>
      %get3A_642 = arith.index_cast %add3A_620 : i32 to index
      %get3A_643 = arith.constant 48 : index
      %get3A_644 = tpu.vector_load %arg9[%get3A_642, %get3A_643] {strides = array<i32>} : memref<128x128xf32, #tpu.memory_space<vmem>>, vector<16xf32>,
      %get3A_645 = arith.index_cast %add3A_620 : i32 to index
      %get3A_646 = arith.constant 48 : index
      %get3A_647 = tpu.vector_load %arg10[%get3A_645, %get3A_646] {strides = array<i32>} : memref<128x128xf32, #tpu.memory_space<vmem>>, vector<16xf32>,
      %mul3A_648 = arith.mulf %get3A_644, %get3A_647 : vector<16xf32>
      %get3A_649 = arith.index_cast %add3A_620 : i32 to index
      %get3A_650 = arith.constant 64 : index
      %get3A_651 = tpu.vector_load %arg9[%get3A_649, %get3A_650] {strides = array<i32>} : memref<128x128xf32, #tpu.memory_space<vmem>>, vector<16xf32>,
      %get3A_652 = arith.index_cast %add3A_620 : i32 to index
      %get3A_653 = arith.constant 64 : index
      %get3A_654 = tpu.vector_load %arg10[%get3A_652, %get3A_653] {strides = array<i32>} : memref<128x128xf32, #tpu.memory_space<vmem>>, vector<16xf32>,
      %mul3A_655 = arith.mulf %get3A_651, %get3A_654 : vector<16xf32>
      %get3A_656 = arith.index_cast %add3A_620 : i32 to index
      %get3A_657 = arith.constant 80 : index
      %get3A_658 = tpu.vector_load %arg9[%get3A_656, %get3A_657] {strides = array<i32>} : memref<128x128xf32, #tpu.memory_space<vmem>>, vector<16xf32>,
      %get3A_659 = arith.index_cast %add3A_620 : i32 to index
      %get3A_660 = arith.constant 80 : index
      %get3A_661 = tpu.vector_load %arg10[%get3A_659, %get3A_660] {strides = array<i32>} : memref<128x128xf32, #tpu.memory_space<vmem>>, vector<16xf32>,
      %mul3A_662 = arith.mulf %get3A_658, %get3A_661 : vector<16xf32>
      %get3A_663 = arith.index_cast %add3A_620 : i32 to index
      %get3A_664 = arith.constant 96 : index
      %get3A_665 = tpu.vector_load %arg9[%get3A_663, %get3A_664] {strides = array<i32>} : memref<128x128xf32, #tpu.memory_space<vmem>>, vector<16xf32>,
      %get3A_666 = arith.index_cast %add3A_620 : i32 to index
      %get3A_667 = arith.constant 96 : index
      %get3A_668 = tpu.vector_load %arg10[%get3A_666, %get3A_667] {strides = array<i32>} : memref<128x128xf32, #tpu.memory_space<vmem>>, vector<16xf32>,
      %mul3A_669 = arith.mulf %get3A_665, %get3A_668 : vector<16xf32>
      %get3A_670 = arith.index_cast %add3A_620 : i32 to index
      %get3A_671 = arith.constant 112 : index
      %get3A_672 = tpu.vector_load %arg9[%get3A_670, %get3A_671] {strides = array<i32>} : memref<128x128xf32, #tpu.memory_space<vmem>>, vector<16xf32>,
      %get3A_673 = arith.index_cast %add3A_620 : i32 to index
      %get3A_674 = arith.constant 112 : index
      %get3A_675 = tpu.vector_load %arg10[%get3A_673, %get3A_674] {strides = array<i32>} : memref<128x128xf32, #tpu.memory_space<vmem>>, vector<16xf32>,
      %mul3A_676 = arith.mulf %get3A_672, %get3A_675 : vector<16xf32>
      %add3A_677 = arith.addf %mul3A_627, %mul3A_634 : vector<16xf32>
      %add3A_678 = arith.addf %mul3A_641, %mul3A_648 : vector<16xf32>
      %add3A_679 = arith.addf %mul3A_655, %mul3A_662 : vector<16xf32>
      %add3A_680 = arith.addf %mul3A_669, %mul3A_676 : vector<16xf32>
      %add3A_681 = arith.addf %add3A_677, %add3A_678 : vector<16xf32>
      %add3A_682 = arith.addf %add3A_679, %add3A_680 : vector<16xf32>
      %add3A_683 = arith.addf %add3A_681, %add3A_682 : vector<16xf32>
      %mul3A_684 = arith.constant 16 : i32
      %mul3A_685 = arith.muli %scan3A_178, %mul3A_684 : i32
      %add3A_686 = arith.constant 7 : i32
      %add3A_687 = arith.addi %mul3A_685, %add3A_686 : i32
      %get3A_688 = arith.index_cast %add3A_687 : i32 to index
      %get3A_689 = arith.constant 0 : index
      %get3A_690 = tpu.vector_load %arg9[%get3A_688, %get3A_689] {strides = array<i32>} : memref<128x128xf32, #tpu.memory_space<vmem>>, vector<16xf32>,
      %get3A_691 = arith.index_cast %add3A_687 : i32 to index
      %get3A_692 = arith.constant 0 : index
      %get3A_693 = tpu.vector_load %arg10[%get3A_691, %get3A_692] {strides = array<i32>} : memref<128x128xf32, #tpu.memory_space<vmem>>, vector<16xf32>,
      %mul3A_694 = arith.mulf %get3A_690, %get3A_693 : vector<16xf32>
      %get3A_695 = arith.index_cast %add3A_687 : i32 to index
      %get3A_696 = arith.constant 16 : index
      %get3A_697 = tpu.vector_load %arg9[%get3A_695, %get3A_696] {strides = array<i32>} : memref<128x128xf32, #tpu.memory_space<vmem>>, vector<16xf32>,
      %get3A_698 = arith.index_cast %add3A_687 : i32 to index
      %get3A_699 = arith.constant 16 : index
      %get3A_700 = tpu.vector_load %arg10[%get3A_698, %get3A_699] {strides = array<i32>} : memref<128x128xf32, #tpu.memory_space<vmem>>, vector<16xf32>,
      %mul3A_701 = arith.mulf %get3A_697, %get3A_700 : vector<16xf32>
      %get3A_702 = arith.index_cast %add3A_687 : i32 to index
      %get3A_703 = arith.constant 32 : index
      %get3A_704 = tpu.vector_load %arg9[%get3A_702, %get3A_703] {strides = array<i32>} : memref<128x128xf32, #tpu.memory_space<vmem>>, vector<16xf32>,
      %get3A_705 = arith.index_cast %add3A_687 : i32 to index
      %get3A_706 = arith.constant 32 : index
      %get3A_707 = tpu.vector_load %arg10[%get3A_705, %get3A_706] {strides = array<i32>} : memref<128x128xf32, #tpu.memory_space<vmem>>, vector<16xf32>,
      %mul3A_708 = arith.mulf %get3A_704, %get3A_707 : vector<16xf32>
      %get3A_709 = arith.index_cast %add3A_687 : i32 to index
      %get3A_710 = arith.constant 48 : index
      %get3A_711 = tpu.vector_load %arg9[%get3A_709, %get3A_710] {strides = array<i32>} : memref<128x128xf32, #tpu.memory_space<vmem>>, vector<16xf32>,
      %get3A_712 = arith.index_cast %add3A_687 : i32 to index
      %get3A_713 = arith.constant 48 : index
      %get3A_714 = tpu.vector_load %arg10[%get3A_712, %get3A_713] {strides = array<i32>} : memref<128x128xf32, #tpu.memory_space<vmem>>, vector<16xf32>,
      %mul3A_715 = arith.mulf %get3A_711, %get3A_714 : vector<16xf32>
      %get3A_716 = arith.index_cast %add3A_687 : i32 to index
      %get3A_717 = arith.constant 64 : index
      %get3A_718 = tpu.vector_load %arg9[%get3A_716, %get3A_717] {strides = array<i32>} : memref<128x128xf32, #tpu.memory_space<vmem>>, vector<16xf32>,
      %get3A_719 = arith.index_cast %add3A_687 : i32 to index
      %get3A_720 = arith.constant 64 : index
      %get3A_721 = tpu.vector_load %arg10[%get3A_719, %get3A_720] {strides = array<i32>} : memref<128x128xf32, #tpu.memory_space<vmem>>, vector<16xf32>,
      %mul3A_722 = arith.mulf %get3A_718, %get3A_721 : vector<16xf32>
      %get3A_723 = arith.index_cast %add3A_687 : i32 to index
      %get3A_724 = arith.constant 80 : index
      %get3A_725 = tpu.vector_load %arg9[%get3A_723, %get3A_724] {strides = array<i32>} : memref<128x128xf32, #tpu.memory_space<vmem>>, vector<16xf32>,
      %get3A_726 = arith.index_cast %add3A_687 : i32 to index
      %get3A_727 = arith.constant 80 : index
      %get3A_728 = tpu.vector_load %arg10[%get3A_726, %get3A_727] {strides = array<i32>} : memref<128x128xf32, #tpu.memory_space<vmem>>, vector<16xf32>,
      %mul3A_729 = arith.mulf %get3A_725, %get3A_728 : vector<16xf32>
      %get3A_730 = arith.index_cast %add3A_687 : i32 to index
      %get3A_731 = arith.constant 96 : index
      %get3A_732 = tpu.vector_load %arg9[%get3A_730, %get3A_731] {strides = array<i32>} : memref<128x128xf32, #tpu.memory_space<vmem>>, vector<16xf32>,
      %get3A_733 = arith.index_cast %add3A_687 : i32 to index
      %get3A_734 = arith.constant 96 : index
      %get3A_735 = tpu.vector_load %arg10[%get3A_733, %get3A_734] {strides = array<i32>} : memref<128x128xf32, #tpu.memory_space<vmem>>, vector<16xf32>,
      %mul3A_736 = arith.mulf %get3A_732, %get3A_735 : vector<16xf32>
      %get3A_737 = arith.index_cast %add3A_687 : i32 to index
      %get3A_738 = arith.constant 112 : index
      %get3A_739 = tpu.vector_load %arg9[%get3A_737, %get3A_738] {strides = array<i32>} : memref<128x128xf32, #tpu.memory_space<vmem>>, vector<16xf32>,
      %get3A_740 = arith.index_cast %add3A_687 : i32 to index
      %get3A_741 = arith.constant 112 : index
      %get3A_742 = tpu.vector_load %arg10[%get3A_740, %get3A_741] {strides = array<i32>} : memref<128x128xf32, #tpu.memory_space<vmem>>, vector<16xf32>,
      %mul3A_743 = arith.mulf %get3A_739, %get3A_742 : vector<16xf32>
      %add3A_744 = arith.addf %mul3A_694, %mul3A_701 : vector<16xf32>
      %add3A_745 = arith.addf %mul3A_708, %mul3A_715 : vector<16xf32>
      %add3A_746 = arith.addf %mul3A_722, %mul3A_729 : vector<16xf32>
      %add3A_747 = arith.addf %mul3A_736, %mul3A_743 : vector<16xf32>
      %add3A_748 = arith.addf %add3A_744, %add3A_745 : vector<16xf32>
      %add3A_749 = arith.addf %add3A_746, %add3A_747 : vector<16xf32>
      %add3A_750 = arith.addf %add3A_748, %add3A_749 : vector<16xf32>
      %mul3A_751 = arith.constant 16 : i32
      %mul3A_752 = arith.muli %scan3A_178, %mul3A_751 : i32
      %add3A_753 = arith.constant 8 : i32
      %add3A_754 = arith.addi %mul3A_752, %add3A_753 : i32
      %get3A_755 = arith.index_cast %add3A_754 : i32 to index
      %get3A_756 = arith.constant 0 : index
      %get3A_757 = tpu.vector_load %arg9[%get3A_755, %get3A_756] {strides = array<i32>} : memref<128x128xf32, #tpu.memory_space<vmem>>, vector<16xf32>,
      %get3A_758 = arith.index_cast %add3A_754 : i32 to index
      %get3A_759 = arith.constant 0 : index
      %get3A_760 = tpu.vector_load %arg10[%get3A_758, %get3A_759] {strides = array<i32>} : memref<128x128xf32, #tpu.memory_space<vmem>>, vector<16xf32>,
      %mul3A_761 = arith.mulf %get3A_757, %get3A_760 : vector<16xf32>
      %get3A_762 = arith.index_cast %add3A_754 : i32 to index
      %get3A_763 = arith.constant 16 : index
      %get3A_764 = tpu.vector_load %arg9[%get3A_762, %get3A_763] {strides = array<i32>} : memref<128x128xf32, #tpu.memory_space<vmem>>, vector<16xf32>,
      %get3A_765 = arith.index_cast %add3A_754 : i32 to index
      %get3A_766 = arith.constant 16 : index
      %get3A_767 = tpu.vector_load %arg10[%get3A_765, %get3A_766] {strides = array<i32>} : memref<128x128xf32, #tpu.memory_space<vmem>>, vector<16xf32>,
      %mul3A_768 = arith.mulf %get3A_764, %get3A_767 : vector<16xf32>
      %get3A_769 = arith.index_cast %add3A_754 : i32 to index
      %get3A_770 = arith.constant 32 : index
      %get3A_771 = tpu.vector_load %arg9[%get3A_769, %get3A_770] {strides = array<i32>} : memref<128x128xf32, #tpu.memory_space<vmem>>, vector<16xf32>,
      %get3A_772 = arith.index_cast %add3A_754 : i32 to index
      %get3A_773 = arith.constant 32 : index
      %get3A_774 = tpu.vector_load %arg10[%get3A_772, %get3A_773] {strides = array<i32>} : memref<128x128xf32, #tpu.memory_space<vmem>>, vector<16xf32>,
      %mul3A_775 = arith.mulf %get3A_771, %get3A_774 : vector<16xf32>
      %get3A_776 = arith.index_cast %add3A_754 : i32 to index
      %get3A_777 = arith.constant 48 : index
      %get3A_778 = tpu.vector_load %arg9[%get3A_776, %get3A_777] {strides = array<i32>} : memref<128x128xf32, #tpu.memory_space<vmem>>, vector<16xf32>,
      %get3A_779 = arith.index_cast %add3A_754 : i32 to index
      %get3A_780 = arith.constant 48 : index
      %get3A_781 = tpu.vector_load %arg10[%get3A_779, %get3A_780] {strides = array<i32>} : memref<128x128xf32, #tpu.memory_space<vmem>>, vector<16xf32>,
      %mul3A_782 = arith.mulf %get3A_778, %get3A_781 : vector<16xf32>
      %get3A_783 = arith.index_cast %add3A_754 : i32 to index
      %get3A_784 = arith.constant 64 : index
      %get3A_785 = tpu.vector_load %arg9[%get3A_783, %get3A_784] {strides = array<i32>} : memref<128x128xf32, #tpu.memory_space<vmem>>, vector<16xf32>,
      %get3A_786 = arith.index_cast %add3A_754 : i32 to index
      %get3A_787 = arith.constant 64 : index
      %get3A_788 = tpu.vector_load %arg10[%get3A_786, %get3A_787] {strides = array<i32>} : memref<128x128xf32, #tpu.memory_space<vmem>>, vector<16xf32>,
      %mul3A_789 = arith.mulf %get3A_785, %get3A_788 : vector<16xf32>
      %get3A_790 = arith.index_cast %add3A_754 : i32 to index
      %get3A_791 = arith.constant 80 : index
      %get3A_792 = tpu.vector_load %arg9[%get3A_790, %get3A_791] {strides = array<i32>} : memref<128x128xf32, #tpu.memory_space<vmem>>, vector<16xf32>,
      %get3A_793 = arith.index_cast %add3A_754 : i32 to index
      %get3A_794 = arith.constant 80 : index
      %get3A_795 = tpu.vector_load %arg10[%get3A_793, %get3A_794] {strides = array<i32>} : memref<128x128xf32, #tpu.memory_space<vmem>>, vector<16xf32>,
      %mul3A_796 = arith.mulf %get3A_792, %get3A_795 : vector<16xf32>
      %get3A_797 = arith.index_cast %add3A_754 : i32 to index
      %get3A_798 = arith.constant 96 : index
      %get3A_799 = tpu.vector_load %arg9[%get3A_797, %get3A_798] {strides = array<i32>} : memref<128x128xf32, #tpu.memory_space<vmem>>, vector<16xf32>,
      %get3A_800 = arith.index_cast %add3A_754 : i32 to index
      %get3A_801 = arith.constant 96 : index
      %get3A_802 = tpu.vector_load %arg10[%get3A_800, %get3A_801] {strides = array<i32>} : memref<128x128xf32, #tpu.memory_space<vmem>>, vector<16xf32>,
      %mul3A_803 = arith.mulf %get3A_799, %get3A_802 : vector<16xf32>
      %get3A_804 = arith.index_cast %add3A_754 : i32 to index
      %get3A_805 = arith.constant 112 : index
      %get3A_806 = tpu.vector_load %arg9[%get3A_804, %get3A_805] {strides = array<i32>} : memref<128x128xf32, #tpu.memory_space<vmem>>, vector<16xf32>,
      %get3A_807 = arith.index_cast %add3A_754 : i32 to index
      %get3A_808 = arith.constant 112 : index
      %get3A_809 = tpu.vector_load %arg10[%get3A_807, %get3A_808] {strides = array<i32>} : memref<128x128xf32, #tpu.memory_space<vmem>>, vector<16xf32>,
      %mul3A_810 = arith.mulf %get3A_806, %get3A_809 : vector<16xf32>
      %add3A_811 = arith.addf %mul3A_761, %mul3A_768 : vector<16xf32>
      %add3A_812 = arith.addf %mul3A_775, %mul3A_782 : vector<16xf32>
      %add3A_813 = arith.addf %mul3A_789, %mul3A_796 : vector<16xf32>
      %add3A_814 = arith.addf %mul3A_803, %mul3A_810 : vector<16xf32>
      %add3A_815 = arith.addf %add3A_811, %add3A_812 : vector<16xf32>
      %add3A_816 = arith.addf %add3A_813, %add3A_814 : vector<16xf32>
      %add3A_817 = arith.addf %add3A_815, %add3A_816 : vector<16xf32>
      %mul3A_818 = arith.constant 16 : i32
      %mul3A_819 = arith.muli %scan3A_178, %mul3A_818 : i32
      %add3A_820 = arith.constant 9 : i32
      %add3A_821 = arith.addi %mul3A_819, %add3A_820 : i32
      %get3A_822 = arith.index_cast %add3A_821 : i32 to index
      %get3A_823 = arith.constant 0 : index
      %get3A_824 = tpu.vector_load %arg9[%get3A_822, %get3A_823] {strides = array<i32>} : memref<128x128xf32, #tpu.memory_space<vmem>>, vector<16xf32>,
      %get3A_825 = arith.index_cast %add3A_821 : i32 to index
      %get3A_826 = arith.constant 0 : index
      %get3A_827 = tpu.vector_load %arg10[%get3A_825, %get3A_826] {strides = array<i32>} : memref<128x128xf32, #tpu.memory_space<vmem>>, vector<16xf32>,
      %mul3A_828 = arith.mulf %get3A_824, %get3A_827 : vector<16xf32>
      %get3A_829 = arith.index_cast %add3A_821 : i32 to index
      %get3A_830 = arith.constant 16 : index
      %get3A_831 = tpu.vector_load %arg9[%get3A_829, %get3A_830] {strides = array<i32>} : memref<128x128xf32, #tpu.memory_space<vmem>>, vector<16xf32>,
      %get3A_832 = arith.index_cast %add3A_821 : i32 to index
      %get3A_833 = arith.constant 16 : index
      %get3A_834 = tpu.vector_load %arg10[%get3A_832, %get3A_833] {strides = array<i32>} : memref<128x128xf32, #tpu.memory_space<vmem>>, vector<16xf32>,
      %mul3A_835 = arith.mulf %get3A_831, %get3A_834 : vector<16xf32>
      %get3A_836 = arith.index_cast %add3A_821 : i32 to index
      %get3A_837 = arith.constant 32 : index
      %get3A_838 = tpu.vector_load %arg9[%get3A_836, %get3A_837] {strides = array<i32>} : memref<128x128xf32, #tpu.memory_space<vmem>>, vector<16xf32>,
      %get3A_839 = arith.index_cast %add3A_821 : i32 to index
      %get3A_840 = arith.constant 32 : index
      %get3A_841 = tpu.vector_load %arg10[%get3A_839, %get3A_840] {strides = array<i32>} : memref<128x128xf32, #tpu.memory_space<vmem>>, vector<16xf32>,
      %mul3A_842 = arith.mulf %get3A_838, %get3A_841 : vector<16xf32>
      %get3A_843 = arith.index_cast %add3A_821 : i32 to index
      %get3A_844 = arith.constant 48 : index
      %get3A_845 = tpu.vector_load %arg9[%get3A_843, %get3A_844] {strides = array<i32>} : memref<128x128xf32, #tpu.memory_space<vmem>>, vector<16xf32>,
      %get3A_846 = arith.index_cast %add3A_821 : i32 to index
      %get3A_847 = arith.constant 48 : index
      %get3A_848 = tpu.vector_load %arg10[%get3A_846, %get3A_847] {strides = array<i32>} : memref<128x128xf32, #tpu.memory_space<vmem>>, vector<16xf32>,
      %mul3A_849 = arith.mulf %get3A_845, %get3A_848 : vector<16xf32>
      %get3A_850 = arith.index_cast %add3A_821 : i32 to index
      %get3A_851 = arith.constant 64 : index
      %get3A_852 = tpu.vector_load %arg9[%get3A_850, %get3A_851] {strides = array<i32>} : memref<128x128xf32, #tpu.memory_space<vmem>>, vector<16xf32>,
      %get3A_853 = arith.index_cast %add3A_821 : i32 to index
      %get3A_854 = arith.constant 64 : index
      %get3A_855 = tpu.vector_load %arg10[%get3A_853, %get3A_854] {strides = array<i32>} : memref<128x128xf32, #tpu.memory_space<vmem>>, vector<16xf32>,
      %mul3A_856 = arith.mulf %get3A_852, %get3A_855 : vector<16xf32>
      %get3A_857 = arith.index_cast %add3A_821 : i32 to index
      %get3A_858 = arith.constant 80 : index
      %get3A_859 = tpu.vector_load %arg9[%get3A_857, %get3A_858] {strides = array<i32>} : memref<128x128xf32, #tpu.memory_space<vmem>>, vector<16xf32>,
      %get3A_860 = arith.index_cast %add3A_821 : i32 to index
      %get3A_861 = arith.constant 80 : index
      %get3A_862 = tpu.vector_load %arg10[%get3A_860, %get3A_861] {strides = array<i32>} : memref<128x128xf32, #tpu.memory_space<vmem>>, vector<16xf32>,
      %mul3A_863 = arith.mulf %get3A_859, %get3A_862 : vector<16xf32>
      %get3A_864 = arith.index_cast %add3A_821 : i32 to index
      %get3A_865 = arith.constant 96 : index
      %get3A_866 = tpu.vector_load %arg9[%get3A_864, %get3A_865] {strides = array<i32>} : memref<128x128xf32, #tpu.memory_space<vmem>>, vector<16xf32>,
      %get3A_867 = arith.index_cast %add3A_821 : i32 to index
      %get3A_868 = arith.constant 96 : index
      %get3A_869 = tpu.vector_load %arg10[%get3A_867, %get3A_868] {strides = array<i32>} : memref<128x128xf32, #tpu.memory_space<vmem>>, vector<16xf32>,
      %mul3A_870 = arith.mulf %get3A_866, %get3A_869 : vector<16xf32>
      %get3A_871 = arith.index_cast %add3A_821 : i32 to index
      %get3A_872 = arith.constant 112 : index
      %get3A_873 = tpu.vector_load %arg9[%get3A_871, %get3A_872] {strides = array<i32>} : memref<128x128xf32, #tpu.memory_space<vmem>>, vector<16xf32>,
      %get3A_874 = arith.index_cast %add3A_821 : i32 to index
      %get3A_875 = arith.constant 112 : index
      %get3A_876 = tpu.vector_load %arg10[%get3A_874, %get3A_875] {strides = array<i32>} : memref<128x128xf32, #tpu.memory_space<vmem>>, vector<16xf32>,
      %mul3A_877 = arith.mulf %get3A_873, %get3A_876 : vector<16xf32>
      %add3A_878 = arith.addf %mul3A_828, %mul3A_835 : vector<16xf32>
      %add3A_879 = arith.addf %mul3A_842, %mul3A_849 : vector<16xf32>
      %add3A_880 = arith.addf %mul3A_856, %mul3A_863 : vector<16xf32>
      %add3A_881 = arith.addf %mul3A_870, %mul3A_877 : vector<16xf32>
      %add3A_882 = arith.addf %add3A_878, %add3A_879 : vector<16xf32>
      %add3A_883 = arith.addf %add3A_880, %add3A_881 : vector<16xf32>
      %add3A_884 = arith.addf %add3A_882, %add3A_883 : vector<16xf32>
      %mul3A_885 = arith.constant 16 : i32
      %mul3A_886 = arith.muli %scan3A_178, %mul3A_885 : i32
      %add3A_887 = arith.constant 10 : i32
      %add3A_888 = arith.addi %mul3A_886, %add3A_887 : i32
      %get3A_889 = arith.index_cast %add3A_888 : i32 to index
      %get3A_890 = arith.constant 0 : index
      %get3A_891 = tpu.vector_load %arg9[%get3A_889, %get3A_890] {strides = array<i32>} : memref<128x128xf32, #tpu.memory_space<vmem>>, vector<16xf32>,
      %get3A_892 = arith.index_cast %add3A_888 : i32 to index
      %get3A_893 = arith.constant 0 : index
      %get3A_894 = tpu.vector_load %arg10[%get3A_892, %get3A_893] {strides = array<i32>} : memref<128x128xf32, #tpu.memory_space<vmem>>, vector<16xf32>,
      %mul3A_895 = arith.mulf %get3A_891, %get3A_894 : vector<16xf32>
      %get3A_896 = arith.index_cast %add3A_888 : i32 to index
      %get3A_897 = arith.constant 16 : index
      %get3A_898 = tpu.vector_load %arg9[%get3A_896, %get3A_897] {strides = array<i32>} : memref<128x128xf32, #tpu.memory_space<vmem>>, vector<16xf32>,
      %get3A_899 = arith.index_cast %add3A_888 : i32 to index
      %get3A_900 = arith.constant 16 : index
      %get3A_901 = tpu.vector_load %arg10[%get3A_899, %get3A_900] {strides = array<i32>} : memref<128x128xf32, #tpu.memory_space<vmem>>, vector<16xf32>,
      %mul3A_902 = arith.mulf %get3A_898, %get3A_901 : vector<16xf32>
      %get3A_903 = arith.index_cast %add3A_888 : i32 to index
      %get3A_904 = arith.constant 32 : index
      %get3A_905 = tpu.vector_load %arg9[%get3A_903, %get3A_904] {strides = array<i32>} : memref<128x128xf32, #tpu.memory_space<vmem>>, vector<16xf32>,
      %get3A_906 = arith.index_cast %add3A_888 : i32 to index
      %get3A_907 = arith.constant 32 : index
      %get3A_908 = tpu.vector_load %arg10[%get3A_906, %get3A_907] {strides = array<i32>} : memref<128x128xf32, #tpu.memory_space<vmem>>, vector<16xf32>,
      %mul3A_909 = arith.mulf %get3A_905, %get3A_908 : vector<16xf32>
      %get3A_910 = arith.index_cast %add3A_888 : i32 to index
      %get3A_911 = arith.constant 48 : index
      %get3A_912 = tpu.vector_load %arg9[%get3A_910, %get3A_911] {strides = array<i32>} : memref<128x128xf32, #tpu.memory_space<vmem>>, vector<16xf32>,
      %get3A_913 = arith.index_cast %add3A_888 : i32 to index
      %get3A_914 = arith.constant 48 : index
      %get3A_915 = tpu.vector_load %arg10[%get3A_913, %get3A_914] {strides = array<i32>} : memref<128x128xf32, #tpu.memory_space<vmem>>, vector<16xf32>,
      %mul3A_916 = arith.mulf %get3A_912, %get3A_915 : vector<16xf32>
      %get3A_917 = arith.index_cast %add3A_888 : i32 to index
      %get3A_918 = arith.constant 64 : index
      %get3A_919 = tpu.vector_load %arg9[%get3A_917, %get3A_918] {strides = array<i32>} : memref<128x128xf32, #tpu.memory_space<vmem>>, vector<16xf32>,
      %get3A_920 = arith.index_cast %add3A_888 : i32 to index
      %get3A_921 = arith.constant 64 : index
      %get3A_922 = tpu.vector_load %arg10[%get3A_920, %get3A_921] {strides = array<i32>} : memref<128x128xf32, #tpu.memory_space<vmem>>, vector<16xf32>,
      %mul3A_923 = arith.mulf %get3A_919, %get3A_922 : vector<16xf32>
      %get3A_924 = arith.index_cast %add3A_888 : i32 to index
      %get3A_925 = arith.constant 80 : index
      %get3A_926 = tpu.vector_load %arg9[%get3A_924, %get3A_925] {strides = array<i32>} : memref<128x128xf32, #tpu.memory_space<vmem>>, vector<16xf32>,
      %get3A_927 = arith.index_cast %add3A_888 : i32 to index
      %get3A_928 = arith.constant 80 : index
      %get3A_929 = tpu.vector_load %arg10[%get3A_927, %get3A_928] {strides = array<i32>} : memref<128x128xf32, #tpu.memory_space<vmem>>, vector<16xf32>,
      %mul3A_930 = arith.mulf %get3A_926, %get3A_929 : vector<16xf32>
      %get3A_931 = arith.index_cast %add3A_888 : i32 to index
      %get3A_932 = arith.constant 96 : index
      %get3A_933 = tpu.vector_load %arg9[%get3A_931, %get3A_932] {strides = array<i32>} : memref<128x128xf32, #tpu.memory_space<vmem>>, vector<16xf32>,
      %get3A_934 = arith.index_cast %add3A_888 : i32 to index
      %get3A_935 = arith.constant 96 : index
      %get3A_936 = tpu.vector_load %arg10[%get3A_934, %get3A_935] {strides = array<i32>} : memref<128x128xf32, #tpu.memory_space<vmem>>, vector<16xf32>,
      %mul3A_937 = arith.mulf %get3A_933, %get3A_936 : vector<16xf32>
      %get3A_938 = arith.index_cast %add3A_888 : i32 to index
      %get3A_939 = arith.constant 112 : index
      %get3A_940 = tpu.vector_load %arg9[%get3A_938, %get3A_939] {strides = array<i32>} : memref<128x128xf32, #tpu.memory_space<vmem>>, vector<16xf32>,
      %get3A_941 = arith.index_cast %add3A_888 : i32 to index
      %get3A_942 = arith.constant 112 : index
      %get3A_943 = tpu.vector_load %arg10[%get3A_941, %get3A_942] {strides = array<i32>} : memref<128x128xf32, #tpu.memory_space<vmem>>, vector<16xf32>,
      %mul3A_944 = arith.mulf %get3A_940, %get3A_943 : vector<16xf32>
      %add3A_945 = arith.addf %mul3A_895, %mul3A_902 : vector<16xf32>
      %add3A_946 = arith.addf %mul3A_909, %mul3A_916 : vector<16xf32>
      %add3A_947 = arith.addf %mul3A_923, %mul3A_930 : vector<16xf32>
      %add3A_948 = arith.addf %mul3A_937, %mul3A_944 : vector<16xf32>
      %add3A_949 = arith.addf %add3A_945, %add3A_946 : vector<16xf32>
      %add3A_950 = arith.addf %add3A_947, %add3A_948 : vector<16xf32>
      %add3A_951 = arith.addf %add3A_949, %add3A_950 : vector<16xf32>
      %mul3A_952 = arith.constant 16 : i32
      %mul3A_953 = arith.muli %scan3A_178, %mul3A_952 : i32
      %add3A_954 = arith.constant 11 : i32
      %add3A_955 = arith.addi %mul3A_953, %add3A_954 : i32
      %get3A_956 = arith.index_cast %add3A_955 : i32 to index
      %get3A_957 = arith.constant 0 : index
      %get3A_958 = tpu.vector_load %arg9[%get3A_956, %get3A_957] {strides = array<i32>} : memref<128x128xf32, #tpu.memory_space<vmem>>, vector<16xf32>,
      %get3A_959 = arith.index_cast %add3A_955 : i32 to index
      %get3A_960 = arith.constant 0 : index
      %get3A_961 = tpu.vector_load %arg10[%get3A_959, %get3A_960] {strides = array<i32>} : memref<128x128xf32, #tpu.memory_space<vmem>>, vector<16xf32>,
      %mul3A_962 = arith.mulf %get3A_958, %get3A_961 : vector<16xf32>
      %get3A_963 = arith.index_cast %add3A_955 : i32 to index
      %get3A_964 = arith.constant 16 : index
      %get3A_965 = tpu.vector_load %arg9[%get3A_963, %get3A_964] {strides = array<i32>} : memref<128x128xf32, #tpu.memory_space<vmem>>, vector<16xf32>,
      %get3A_966 = arith.index_cast %add3A_955 : i32 to index
      %get3A_967 = arith.constant 16 : index
      %get3A_968 = tpu.vector_load %arg10[%get3A_966, %get3A_967] {strides = array<i32>} : memref<128x128xf32, #tpu.memory_space<vmem>>, vector<16xf32>,
      %mul3A_969 = arith.mulf %get3A_965, %get3A_968 : vector<16xf32>
      %get3A_970 = arith.index_cast %add3A_955 : i32 to index
      %get3A_971 = arith.constant 32 : index
      %get3A_972 = tpu.vector_load %arg9[%get3A_970, %get3A_971] {strides = array<i32>} : memref<128x128xf32, #tpu.memory_space<vmem>>, vector<16xf32>,
      %get3A_973 = arith.index_cast %add3A_955 : i32 to index
      %get3A_974 = arith.constant 32 : index
      %get3A_975 = tpu.vector_load %arg10[%get3A_973, %get3A_974] {strides = array<i32>} : memref<128x128xf32, #tpu.memory_space<vmem>>, vector<16xf32>,
      %mul3A_976 = arith.mulf %get3A_972, %get3A_975 : vector<16xf32>
      %get3A_977 = arith.index_cast %add3A_955 : i32 to index
      %get3A_978 = arith.constant 48 : index
      %get3A_979 = tpu.vector_load %arg9[%get3A_977, %get3A_978] {strides = array<i32>} : memref<128x128xf32, #tpu.memory_space<vmem>>, vector<16xf32>,
      %get3A_980 = arith.index_cast %add3A_955 : i32 to index
      %get3A_981 = arith.constant 48 : index
      %get3A_982 = tpu.vector_load %arg10[%get3A_980, %get3A_981] {strides = array<i32>} : memref<128x128xf32, #tpu.memory_space<vmem>>, vector<16xf32>,
      %mul3A_983 = arith.mulf %get3A_979, %get3A_982 : vector<16xf32>
      %get3A_984 = arith.index_cast %add3A_955 : i32 to index
      %get3A_985 = arith.constant 64 : index
      %get3A_986 = tpu.vector_load %arg9[%get3A_984, %get3A_985] {strides = array<i32>} : memref<128x128xf32, #tpu.memory_space<vmem>>, vector<16xf32>,
      %get3A_987 = arith.index_cast %add3A_955 : i32 to index
      %get3A_988 = arith.constant 64 : index
      %get3A_989 = tpu.vector_load %arg10[%get3A_987, %get3A_988] {strides = array<i32>} : memref<128x128xf32, #tpu.memory_space<vmem>>, vector<16xf32>,
      %mul3A_990 = arith.mulf %get3A_986, %get3A_989 : vector<16xf32>
      %get3A_991 = arith.index_cast %add3A_955 : i32 to index
      %get3A_992 = arith.constant 80 : index
      %get3A_993 = tpu.vector_load %arg9[%get3A_991, %get3A_992] {strides = array<i32>} : memref<128x128xf32, #tpu.memory_space<vmem>>, vector<16xf32>,
      %get3A_994 = arith.index_cast %add3A_955 : i32 to index
      %get3A_995 = arith.constant 80 : index
      %get3A_996 = tpu.vector_load %arg10[%get3A_994, %get3A_995] {strides = array<i32>} : memref<128x128xf32, #tpu.memory_space<vmem>>, vector<16xf32>,
      %mul3A_997 = arith.mulf %get3A_993, %get3A_996 : vector<16xf32>
      %get3A_998 = arith.index_cast %add3A_955 : i32 to index
      %get3A_999 = arith.constant 96 : index
      %get3A_1000 = tpu.vector_load %arg9[%get3A_998, %get3A_999] {strides = array<i32>} : memref<128x128xf32, #tpu.memory_space<vmem>>, vector<16xf32>,
      %get3A_1001 = arith.index_cast %add3A_955 : i32 to index
      %get3A_1002 = arith.constant 96 : index
      %get3A_1003 = tpu.vector_load %arg10[%get3A_1001, %get3A_1002] {strides = array<i32>} : memref<128x128xf32, #tpu.memory_space<vmem>>, vector<16xf32>,
      %mul3A_1004 = arith.mulf %get3A_1000, %get3A_1003 : vector<16xf32>
      %get3A_1005 = arith.index_cast %add3A_955 : i32 to index
      %get3A_1006 = arith.constant 112 : index
      %get3A_1007 = tpu.vector_load %arg9[%get3A_1005, %get3A_1006] {strides = array<i32>} : memref<128x128xf32, #tpu.memory_space<vmem>>, vector<16xf32>,
      %get3A_1008 = arith.index_cast %add3A_955 : i32 to index
      %get3A_1009 = arith.constant 112 : index
      %get3A_1010 = tpu.vector_load %arg10[%get3A_1008, %get3A_1009] {strides = array<i32>} : memref<128x128xf32, #tpu.memory_space<vmem>>, vector<16xf32>,
      %mul3A_1011 = arith.mulf %get3A_1007, %get3A_1010 : vector<16xf32>
      %add3A_1012 = arith.addf %mul3A_962, %mul3A_969 : vector<16xf32>
      %add3A_1013 = arith.addf %mul3A_976, %mul3A_983 : vector<16xf32>
      %add3A_1014 = arith.addf %mul3A_990, %mul3A_997 : vector<16xf32>
      %add3A_1015 = arith.addf %mul3A_1004, %mul3A_1011 : vector<16xf32>
      %add3A_1016 = arith.addf %add3A_1012, %add3A_1013 : vector<16xf32>
      %add3A_1017 = arith.addf %add3A_1014, %add3A_1015 : vector<16xf32>
      %add3A_1018 = arith.addf %add3A_1016, %add3A_1017 : vector<16xf32>
      %mul3A_1019 = arith.constant 16 : i32
      %mul3A_1020 = arith.muli %scan3A_178, %mul3A_1019 : i32
      %add3A_1021 = arith.constant 12 : i32
      %add3A_1022 = arith.addi %mul3A_1020, %add3A_1021 : i32
      %get3A_1023 = arith.index_cast %add3A_1022 : i32 to index
      %get3A_1024 = arith.constant 0 : index
      %get3A_1025 = tpu.vector_load %arg9[%get3A_1023, %get3A_1024] {strides = array<i32>} : memref<128x128xf32, #tpu.memory_space<vmem>>, vector<16xf32>,
      %get3A_1026 = arith.index_cast %add3A_1022 : i32 to index
      %get3A_1027 = arith.constant 0 : index
      %get3A_1028 = tpu.vector_load %arg10[%get3A_1026, %get3A_1027] {strides = array<i32>} : memref<128x128xf32, #tpu.memory_space<vmem>>, vector<16xf32>,
      %mul3A_1029 = arith.mulf %get3A_1025, %get3A_1028 : vector<16xf32>
      %get3A_1030 = arith.index_cast %add3A_1022 : i32 to index
      %get3A_1031 = arith.constant 16 : index
      %get3A_1032 = tpu.vector_load %arg9[%get3A_1030, %get3A_1031] {strides = array<i32>} : memref<128x128xf32, #tpu.memory_space<vmem>>, vector<16xf32>,
      %get3A_1033 = arith.index_cast %add3A_1022 : i32 to index
      %get3A_1034 = arith.constant 16 : index
      %get3A_1035 = tpu.vector_load %arg10[%get3A_1033, %get3A_1034] {strides = array<i32>} : memref<128x128xf32, #tpu.memory_space<vmem>>, vector<16xf32>,
      %mul3A_1036 = arith.mulf %get3A_1032, %get3A_1035 : vector<16xf32>
      %get3A_1037 = arith.index_cast %add3A_1022 : i32 to index
      %get3A_1038 = arith.constant 32 : index
      %get3A_1039 = tpu.vector_load %arg9[%get3A_1037, %get3A_1038] {strides = array<i32>} : memref<128x128xf32, #tpu.memory_space<vmem>>, vector<16xf32>,
      %get3A_1040 = arith.index_cast %add3A_1022 : i32 to index
      %get3A_1041 = arith.constant 32 : index
      %get3A_1042 = tpu.vector_load %arg10[%get3A_1040, %get3A_1041] {strides = array<i32>} : memref<128x128xf32, #tpu.memory_space<vmem>>, vector<16xf32>,
      %mul3A_1043 = arith.mulf %get3A_1039, %get3A_1042 : vector<16xf32>
      %get3A_1044 = arith.index_cast %add3A_1022 : i32 to index
      %get3A_1045 = arith.constant 48 : index
      %get3A_1046 = tpu.vector_load %arg9[%get3A_1044, %get3A_1045] {strides = array<i32>} : memref<128x128xf32, #tpu.memory_space<vmem>>, vector<16xf32>,
      %get3A_1047 = arith.index_cast %add3A_1022 : i32 to index
      %get3A_1048 = arith.constant 48 : index
      %get3A_1049 = tpu.vector_load %arg10[%get3A_1047, %get3A_1048] {strides = array<i32>} : memref<128x128xf32, #tpu.memory_space<vmem>>, vector<16xf32>,
      %mul3A_1050 = arith.mulf %get3A_1046, %get3A_1049 : vector<16xf32>
      %get3A_1051 = arith.index_cast %add3A_1022 : i32 to index
      %get3A_1052 = arith.constant 64 : index
      %get3A_1053 = tpu.vector_load %arg9[%get3A_1051, %get3A_1052] {strides = array<i32>} : memref<128x128xf32, #tpu.memory_space<vmem>>, vector<16xf32>,
      %get3A_1054 = arith.index_cast %add3A_1022 : i32 to index
      %get3A_1055 = arith.constant 64 : index
      %get3A_1056 = tpu.vector_load %arg10[%get3A_1054, %get3A_1055] {strides = array<i32>} : memref<128x128xf32, #tpu.memory_space<vmem>>, vector<16xf32>,
      %mul3A_1057 = arith.mulf %get3A_1053, %get3A_1056 : vector<16xf32>
      %get3A_1058 = arith.index_cast %add3A_1022 : i32 to index
      %get3A_1059 = arith.constant 80 : index
      %get3A_1060 = tpu.vector_load %arg9[%get3A_1058, %get3A_1059] {strides = array<i32>} : memref<128x128xf32, #tpu.memory_space<vmem>>, vector<16xf32>,
      %get3A_1061 = arith.index_cast %add3A_1022 : i32 to index
      %get3A_1062 = arith.constant 80 : index
      %get3A_1063 = tpu.vector_load %arg10[%get3A_1061, %get3A_1062] {strides = array<i32>} : memref<128x128xf32, #tpu.memory_space<vmem>>, vector<16xf32>,
      %mul3A_1064 = arith.mulf %get3A_1060, %get3A_1063 : vector<16xf32>
      %get3A_1065 = arith.index_cast %add3A_1022 : i32 to index
      %get3A_1066 = arith.constant 96 : index
      %get3A_1067 = tpu.vector_load %arg9[%get3A_1065, %get3A_1066] {strides = array<i32>} : memref<128x128xf32, #tpu.memory_space<vmem>>, vector<16xf32>,
      %get3A_1068 = arith.index_cast %add3A_1022 : i32 to index
      %get3A_1069 = arith.constant 96 : index
      %get3A_1070 = tpu.vector_load %arg10[%get3A_1068, %get3A_1069] {strides = array<i32>} : memref<128x128xf32, #tpu.memory_space<vmem>>, vector<16xf32>,
      %mul3A_1071 = arith.mulf %get3A_1067, %get3A_1070 : vector<16xf32>
      %get3A_1072 = arith.index_cast %add3A_1022 : i32 to index
      %get3A_1073 = arith.constant 112 : index
      %get3A_1074 = tpu.vector_load %arg9[%get3A_1072, %get3A_1073] {strides = array<i32>} : memref<128x128xf32, #tpu.memory_space<vmem>>, vector<16xf32>,
      %get3A_1075 = arith.index_cast %add3A_1022 : i32 to index
      %get3A_1076 = arith.constant 112 : index
      %get3A_1077 = tpu.vector_load %arg10[%get3A_1075, %get3A_1076] {strides = array<i32>} : memref<128x128xf32, #tpu.memory_space<vmem>>, vector<16xf32>,
      %mul3A_1078 = arith.mulf %get3A_1074, %get3A_1077 : vector<16xf32>
      %add3A_1079 = arith.addf %mul3A_1029, %mul3A_1036 : vector<16xf32>
      %add3A_1080 = arith.addf %mul3A_1043, %mul3A_1050 : vector<16xf32>
      %add3A_1081 = arith.addf %mul3A_1057, %mul3A_1064 : vector<16xf32>
      %add3A_1082 = arith.addf %mul3A_1071, %mul3A_1078 : vector<16xf32>
      %add3A_1083 = arith.addf %add3A_1079, %add3A_1080 : vector<16xf32>
      %add3A_1084 = arith.addf %add3A_1081, %add3A_1082 : vector<16xf32>
      %add3A_1085 = arith.addf %add3A_1083, %add3A_1084 : vector<16xf32>
      %mul3A_1086 = arith.constant 16 : i32
      %mul3A_1087 = arith.muli %scan3A_178, %mul3A_1086 : i32
      %add3A_1088 = arith.constant 13 : i32
      %add3A_1089 = arith.addi %mul3A_1087, %add3A_1088 : i32
      %get3A_1090 = arith.index_cast %add3A_1089 : i32 to index
      %get3A_1091 = arith.constant 0 : index
      %get3A_1092 = tpu.vector_load %arg9[%get3A_1090, %get3A_1091] {strides = array<i32>} : memref<128x128xf32, #tpu.memory_space<vmem>>, vector<16xf32>,
      %get3A_1093 = arith.index_cast %add3A_1089 : i32 to index
      %get3A_1094 = arith.constant 0 : index
      %get3A_1095 = tpu.vector_load %arg10[%get3A_1093, %get3A_1094] {strides = array<i32>} : memref<128x128xf32, #tpu.memory_space<vmem>>, vector<16xf32>,
      %mul3A_1096 = arith.mulf %get3A_1092, %get3A_1095 : vector<16xf32>
      %get3A_1097 = arith.index_cast %add3A_1089 : i32 to index
      %get3A_1098 = arith.constant 16 : index
      %get3A_1099 = tpu.vector_load %arg9[%get3A_1097, %get3A_1098] {strides = array<i32>} : memref<128x128xf32, #tpu.memory_space<vmem>>, vector<16xf32>,
      %get3A_1100 = arith.index_cast %add3A_1089 : i32 to index
      %get3A_1101 = arith.constant 16 : index
      %get3A_1102 = tpu.vector_load %arg10[%get3A_1100, %get3A_1101] {strides = array<i32>} : memref<128x128xf32, #tpu.memory_space<vmem>>, vector<16xf32>,
      %mul3A_1103 = arith.mulf %get3A_1099, %get3A_1102 : vector<16xf32>
      %get3A_1104 = arith.index_cast %add3A_1089 : i32 to index
      %get3A_1105 = arith.constant 32 : index
      %get3A_1106 = tpu.vector_load %arg9[%get3A_1104, %get3A_1105] {strides = array<i32>} : memref<128x128xf32, #tpu.memory_space<vmem>>, vector<16xf32>,
      %get3A_1107 = arith.index_cast %add3A_1089 : i32 to index
      %get3A_1108 = arith.constant 32 : index
      %get3A_1109 = tpu.vector_load %arg10[%get3A_1107, %get3A_1108] {strides = array<i32>} : memref<128x128xf32, #tpu.memory_space<vmem>>, vector<16xf32>,
      %mul3A_1110 = arith.mulf %get3A_1106, %get3A_1109 : vector<16xf32>
      %get3A_1111 = arith.index_cast %add3A_1089 : i32 to index
      %get3A_1112 = arith.constant 48 : index
      %get3A_1113 = tpu.vector_load %arg9[%get3A_1111, %get3A_1112] {strides = array<i32>} : memref<128x128xf32, #tpu.memory_space<vmem>>, vector<16xf32>,
      %get3A_1114 = arith.index_cast %add3A_1089 : i32 to index
      %get3A_1115 = arith.constant 48 : index
      %get3A_1116 = tpu.vector_load %arg10[%get3A_1114, %get3A_1115] {strides = array<i32>} : memref<128x128xf32, #tpu.memory_space<vmem>>, vector<16xf32>,
      %mul3A_1117 = arith.mulf %get3A_1113, %get3A_1116 : vector<16xf32>
      %get3A_1118 = arith.index_cast %add3A_1089 : i32 to index
      %get3A_1119 = arith.constant 64 : index
      %get3A_1120 = tpu.vector_load %arg9[%get3A_1118, %get3A_1119] {strides = array<i32>} : memref<128x128xf32, #tpu.memory_space<vmem>>, vector<16xf32>,
      %get3A_1121 = arith.index_cast %add3A_1089 : i32 to index
      %get3A_1122 = arith.constant 64 : index
      %get3A_1123 = tpu.vector_load %arg10[%get3A_1121, %get3A_1122] {strides = array<i32>} : memref<128x128xf32, #tpu.memory_space<vmem>>, vector<16xf32>,
      %mul3A_1124 = arith.mulf %get3A_1120, %get3A_1123 : vector<16xf32>
      %get3A_1125 = arith.index_cast %add3A_1089 : i32 to index
      %get3A_1126 = arith.constant 80 : index
      %get3A_1127 = tpu.vector_load %arg9[%get3A_1125, %get3A_1126] {strides = array<i32>} : memref<128x128xf32, #tpu.memory_space<vmem>>, vector<16xf32>,
      %get3A_1128 = arith.index_cast %add3A_1089 : i32 to index
      %get3A_1129 = arith.constant 80 : index
      %get3A_1130 = tpu.vector_load %arg10[%get3A_1128, %get3A_1129] {strides = array<i32>} : memref<128x128xf32, #tpu.memory_space<vmem>>, vector<16xf32>,
      %mul3A_1131 = arith.mulf %get3A_1127, %get3A_1130 : vector<16xf32>
      %get3A_1132 = arith.index_cast %add3A_1089 : i32 to index
      %get3A_1133 = arith.constant 96 : index
      %get3A_1134 = tpu.vector_load %arg9[%get3A_1132, %get3A_1133] {strides = array<i32>} : memref<128x128xf32, #tpu.memory_space<vmem>>, vector<16xf32>,
      %get3A_1135 = arith.index_cast %add3A_1089 : i32 to index
      %get3A_1136 = arith.constant 96 : index
      %get3A_1137 = tpu.vector_load %arg10[%get3A_1135, %get3A_1136] {strides = array<i32>} : memref<128x128xf32, #tpu.memory_space<vmem>>, vector<16xf32>,
      %mul3A_1138 = arith.mulf %get3A_1134, %get3A_1137 : vector<16xf32>
      %get3A_1139 = arith.index_cast %add3A_1089 : i32 to index
      %get3A_1140 = arith.constant 112 : index
      %get3A_1141 = tpu.vector_load %arg9[%get3A_1139, %get3A_1140] {strides = array<i32>} : memref<128x128xf32, #tpu.memory_space<vmem>>, vector<16xf32>,
      %get3A_1142 = arith.index_cast %add3A_1089 : i32 to index
      %get3A_1143 = arith.constant 112 : index
      %get3A_1144 = tpu.vector_load %arg10[%get3A_1142, %get3A_1143] {strides = array<i32>} : memref<128x128xf32, #tpu.memory_space<vmem>>, vector<16xf32>,
      %mul3A_1145 = arith.mulf %get3A_1141, %get3A_1144 : vector<16xf32>
      %add3A_1146 = arith.addf %mul3A_1096, %mul3A_1103 : vector<16xf32>
      %add3A_1147 = arith.addf %mul3A_1110, %mul3A_1117 : vector<16xf32>
      %add3A_1148 = arith.addf %mul3A_1124, %mul3A_1131 : vector<16xf32>
      %add3A_1149 = arith.addf %mul3A_1138, %mul3A_1145 : vector<16xf32>
      %add3A_1150 = arith.addf %add3A_1146, %add3A_1147 : vector<16xf32>
      %add3A_1151 = arith.addf %add3A_1148, %add3A_1149 : vector<16xf32>
      %add3A_1152 = arith.addf %add3A_1150, %add3A_1151 : vector<16xf32>
      %mul3A_1153 = arith.constant 16 : i32
      %mul3A_1154 = arith.muli %scan3A_178, %mul3A_1153 : i32
      %add3A_1155 = arith.constant 14 : i32
      %add3A_1156 = arith.addi %mul3A_1154, %add3A_1155 : i32
      %get3A_1157 = arith.index_cast %add3A_1156 : i32 to index
      %get3A_1158 = arith.constant 0 : index
      %get3A_1159 = tpu.vector_load %arg9[%get3A_1157, %get3A_1158] {strides = array<i32>} : memref<128x128xf32, #tpu.memory_space<vmem>>, vector<16xf32>,
      %get3A_1160 = arith.index_cast %add3A_1156 : i32 to index
      %get3A_1161 = arith.constant 0 : index
      %get3A_1162 = tpu.vector_load %arg10[%get3A_1160, %get3A_1161] {strides = array<i32>} : memref<128x128xf32, #tpu.memory_space<vmem>>, vector<16xf32>,
      %mul3A_1163 = arith.mulf %get3A_1159, %get3A_1162 : vector<16xf32>
      %get3A_1164 = arith.index_cast %add3A_1156 : i32 to index
      %get3A_1165 = arith.constant 16 : index
      %get3A_1166 = tpu.vector_load %arg9[%get3A_1164, %get3A_1165] {strides = array<i32>} : memref<128x128xf32, #tpu.memory_space<vmem>>, vector<16xf32>,
      %get3A_1167 = arith.index_cast %add3A_1156 : i32 to index
      %get3A_1168 = arith.constant 16 : index
      %get3A_1169 = tpu.vector_load %arg10[%get3A_1167, %get3A_1168] {strides = array<i32>} : memref<128x128xf32, #tpu.memory_space<vmem>>, vector<16xf32>,
      %mul3A_1170 = arith.mulf %get3A_1166, %get3A_1169 : vector<16xf32>
      %get3A_1171 = arith.index_cast %add3A_1156 : i32 to index
      %get3A_1172 = arith.constant 32 : index
      %get3A_1173 = tpu.vector_load %arg9[%get3A_1171, %get3A_1172] {strides = array<i32>} : memref<128x128xf32, #tpu.memory_space<vmem>>, vector<16xf32>,
      %get3A_1174 = arith.index_cast %add3A_1156 : i32 to index
      %get3A_1175 = arith.constant 32 : index
      %get3A_1176 = tpu.vector_load %arg10[%get3A_1174, %get3A_1175] {strides = array<i32>} : memref<128x128xf32, #tpu.memory_space<vmem>>, vector<16xf32>,
      %mul3A_1177 = arith.mulf %get3A_1173, %get3A_1176 : vector<16xf32>
      %get3A_1178 = arith.index_cast %add3A_1156 : i32 to index
      %get3A_1179 = arith.constant 48 : index
      %get3A_1180 = tpu.vector_load %arg9[%get3A_1178, %get3A_1179] {strides = array<i32>} : memref<128x128xf32, #tpu.memory_space<vmem>>, vector<16xf32>,
      %get3A_1181 = arith.index_cast %add3A_1156 : i32 to index
      %get3A_1182 = arith.constant 48 : index
      %get3A_1183 = tpu.vector_load %arg10[%get3A_1181, %get3A_1182] {strides = array<i32>} : memref<128x128xf32, #tpu.memory_space<vmem>>, vector<16xf32>,
      %mul3A_1184 = arith.mulf %get3A_1180, %get3A_1183 : vector<16xf32>
      %get3A_1185 = arith.index_cast %add3A_1156 : i32 to index
      %get3A_1186 = arith.constant 64 : index
      %get3A_1187 = tpu.vector_load %arg9[%get3A_1185, %get3A_1186] {strides = array<i32>} : memref<128x128xf32, #tpu.memory_space<vmem>>, vector<16xf32>,
      %get3A_1188 = arith.index_cast %add3A_1156 : i32 to index
      %get3A_1189 = arith.constant 64 : index
      %get3A_1190 = tpu.vector_load %arg10[%get3A_1188, %get3A_1189] {strides = array<i32>} : memref<128x128xf32, #tpu.memory_space<vmem>>, vector<16xf32>,
      %mul3A_1191 = arith.mulf %get3A_1187, %get3A_1190 : vector<16xf32>
      %get3A_1192 = arith.index_cast %add3A_1156 : i32 to index
      %get3A_1193 = arith.constant 80 : index
      %get3A_1194 = tpu.vector_load %arg9[%get3A_1192, %get3A_1193] {strides = array<i32>} : memref<128x128xf32, #tpu.memory_space<vmem>>, vector<16xf32>,
      %get3A_1195 = arith.index_cast %add3A_1156 : i32 to index
      %get3A_1196 = arith.constant 80 : index
      %get3A_1197 = tpu.vector_load %arg10[%get3A_1195, %get3A_1196] {strides = array<i32>} : memref<128x128xf32, #tpu.memory_space<vmem>>, vector<16xf32>,
      %mul3A_1198 = arith.mulf %get3A_1194, %get3A_1197 : vector<16xf32>
      %get3A_1199 = arith.index_cast %add3A_1156 : i32 to index
      %get3A_1200 = arith.constant 96 : index
      %get3A_1201 = tpu.vector_load %arg9[%get3A_1199, %get3A_1200] {strides = array<i32>} : memref<128x128xf32, #tpu.memory_space<vmem>>, vector<16xf32>,
      %get3A_1202 = arith.index_cast %add3A_1156 : i32 to index
      %get3A_1203 = arith.constant 96 : index
      %get3A_1204 = tpu.vector_load %arg10[%get3A_1202, %get3A_1203] {strides = array<i32>} : memref<128x128xf32, #tpu.memory_space<vmem>>, vector<16xf32>,
      %mul3A_1205 = arith.mulf %get3A_1201, %get3A_1204 : vector<16xf32>
      %get3A_1206 = arith.index_cast %add3A_1156 : i32 to index
      %get3A_1207 = arith.constant 112 : index
      %get3A_1208 = tpu.vector_load %arg9[%get3A_1206, %get3A_1207] {strides = array<i32>} : memref<128x128xf32, #tpu.memory_space<vmem>>, vector<16xf32>,
      %get3A_1209 = arith.index_cast %add3A_1156 : i32 to index
      %get3A_1210 = arith.constant 112 : index
      %get3A_1211 = tpu.vector_load %arg10[%get3A_1209, %get3A_1210] {strides = array<i32>} : memref<128x128xf32, #tpu.memory_space<vmem>>, vector<16xf32>,
      %mul3A_1212 = arith.mulf %get3A_1208, %get3A_1211 : vector<16xf32>
      %add3A_1213 = arith.addf %mul3A_1163, %mul3A_1170 : vector<16xf32>
      %add3A_1214 = arith.addf %mul3A_1177, %mul3A_1184 : vector<16xf32>
      %add3A_1215 = arith.addf %mul3A_1191, %mul3A_1198 : vector<16xf32>
      %add3A_1216 = arith.addf %mul3A_1205, %mul3A_1212 : vector<16xf32>
      %add3A_1217 = arith.addf %add3A_1213, %add3A_1214 : vector<16xf32>
      %add3A_1218 = arith.addf %add3A_1215, %add3A_1216 : vector<16xf32>
      %add3A_1219 = arith.addf %add3A_1217, %add3A_1218 : vector<16xf32>
      %mul3A_1220 = arith.constant 16 : i32
      %mul3A_1221 = arith.muli %scan3A_178, %mul3A_1220 : i32
      %add3A_1222 = arith.constant 15 : i32
      %add3A_1223 = arith.addi %mul3A_1221, %add3A_1222 : i32
      %get3A_1224 = arith.index_cast %add3A_1223 : i32 to index
      %get3A_1225 = arith.constant 0 : index
      %get3A_1226 = tpu.vector_load %arg9[%get3A_1224, %get3A_1225] {strides = array<i32>} : memref<128x128xf32, #tpu.memory_space<vmem>>, vector<16xf32>,
      %get3A_1227 = arith.index_cast %add3A_1223 : i32 to index
      %get3A_1228 = arith.constant 0 : index
      %get3A_1229 = tpu.vector_load %arg10[%get3A_1227, %get3A_1228] {strides = array<i32>} : memref<128x128xf32, #tpu.memory_space<vmem>>, vector<16xf32>,
      %mul3A_1230 = arith.mulf %get3A_1226, %get3A_1229 : vector<16xf32>
      %get3A_1231 = arith.index_cast %add3A_1223 : i32 to index
      %get3A_1232 = arith.constant 16 : index
      %get3A_1233 = tpu.vector_load %arg9[%get3A_1231, %get3A_1232] {strides = array<i32>} : memref<128x128xf32, #tpu.memory_space<vmem>>, vector<16xf32>,
      %get3A_1234 = arith.index_cast %add3A_1223 : i32 to index
      %get3A_1235 = arith.constant 16 : index
      %get3A_1236 = tpu.vector_load %arg10[%get3A_1234, %get3A_1235] {strides = array<i32>} : memref<128x128xf32, #tpu.memory_space<vmem>>, vector<16xf32>,
      %mul3A_1237 = arith.mulf %get3A_1233, %get3A_1236 : vector<16xf32>
      %get3A_1238 = arith.index_cast %add3A_1223 : i32 to index
      %get3A_1239 = arith.constant 32 : index
      %get3A_1240 = tpu.vector_load %arg9[%get3A_1238, %get3A_1239] {strides = array<i32>} : memref<128x128xf32, #tpu.memory_space<vmem>>, vector<16xf32>,
      %get3A_1241 = arith.index_cast %add3A_1223 : i32 to index
      %get3A_1242 = arith.constant 32 : index
      %get3A_1243 = tpu.vector_load %arg10[%get3A_1241, %get3A_1242] {strides = array<i32>} : memref<128x128xf32, #tpu.memory_space<vmem>>, vector<16xf32>,
      %mul3A_1244 = arith.mulf %get3A_1240, %get3A_1243 : vector<16xf32>
      %get3A_1245 = arith.index_cast %add3A_1223 : i32 to index
      %get3A_1246 = arith.constant 48 : index
      %get3A_1247 = tpu.vector_load %arg9[%get3A_1245, %get3A_1246] {strides = array<i32>} : memref<128x128xf32, #tpu.memory_space<vmem>>, vector<16xf32>,
      %get3A_1248 = arith.index_cast %add3A_1223 : i32 to index
      %get3A_1249 = arith.constant 48 : index
      %get3A_1250 = tpu.vector_load %arg10[%get3A_1248, %get3A_1249] {strides = array<i32>} : memref<128x128xf32, #tpu.memory_space<vmem>>, vector<16xf32>,
      %mul3A_1251 = arith.mulf %get3A_1247, %get3A_1250 : vector<16xf32>
      %get3A_1252 = arith.index_cast %add3A_1223 : i32 to index
      %get3A_1253 = arith.constant 64 : index
      %get3A_1254 = tpu.vector_load %arg9[%get3A_1252, %get3A_1253] {strides = array<i32>} : memref<128x128xf32, #tpu.memory_space<vmem>>, vector<16xf32>,
      %get3A_1255 = arith.index_cast %add3A_1223 : i32 to index
      %get3A_1256 = arith.constant 64 : index
      %get3A_1257 = tpu.vector_load %arg10[%get3A_1255, %get3A_1256] {strides = array<i32>} : memref<128x128xf32, #tpu.memory_space<vmem>>, vector<16xf32>,
      %mul3A_1258 = arith.mulf %get3A_1254, %get3A_1257 : vector<16xf32>
      %get3A_1259 = arith.index_cast %add3A_1223 : i32 to index
      %get3A_1260 = arith.constant 80 : index
      %get3A_1261 = tpu.vector_load %arg9[%get3A_1259, %get3A_1260] {strides = array<i32>} : memref<128x128xf32, #tpu.memory_space<vmem>>, vector<16xf32>,
      %get3A_1262 = arith.index_cast %add3A_1223 : i32 to index
      %get3A_1263 = arith.constant 80 : index
      %get3A_1264 = tpu.vector_load %arg10[%get3A_1262, %get3A_1263] {strides = array<i32>} : memref<128x128xf32, #tpu.memory_space<vmem>>, vector<16xf32>,
      %mul3A_1265 = arith.mulf %get3A_1261, %get3A_1264 : vector<16xf32>
      %get3A_1266 = arith.index_cast %add3A_1223 : i32 to index
      %get3A_1267 = arith.constant 96 : index
      %get3A_1268 = tpu.vector_load %arg9[%get3A_1266, %get3A_1267] {strides = array<i32>} : memref<128x128xf32, #tpu.memory_space<vmem>>, vector<16xf32>,
      %get3A_1269 = arith.index_cast %add3A_1223 : i32 to index
      %get3A_1270 = arith.constant 96 : index
      %get3A_1271 = tpu.vector_load %arg10[%get3A_1269, %get3A_1270] {strides = array<i32>} : memref<128x128xf32, #tpu.memory_space<vmem>>, vector<16xf32>,
      %mul3A_1272 = arith.mulf %get3A_1268, %get3A_1271 : vector<16xf32>
      %get3A_1273 = arith.index_cast %add3A_1223 : i32 to index
      %get3A_1274 = arith.constant 112 : index
      %get3A_1275 = tpu.vector_load %arg9[%get3A_1273, %get3A_1274] {strides = array<i32>} : memref<128x128xf32, #tpu.memory_space<vmem>>, vector<16xf32>,
      %get3A_1276 = arith.index_cast %add3A_1223 : i32 to index
      %get3A_1277 = arith.constant 112 : index
      %get3A_1278 = tpu.vector_load %arg10[%get3A_1276, %get3A_1277] {strides = array<i32>} : memref<128x128xf32, #tpu.memory_space<vmem>>, vector<16xf32>,
      %mul3A_1279 = arith.mulf %get3A_1275, %get3A_1278 : vector<16xf32>
      %add3A_1280 = arith.addf %mul3A_1230, %mul3A_1237 : vector<16xf32>
      %add3A_1281 = arith.addf %mul3A_1244, %mul3A_1251 : vector<16xf32>
      %add3A_1282 = arith.addf %mul3A_1258, %mul3A_1265 : vector<16xf32>
      %add3A_1283 = arith.addf %mul3A_1272, %mul3A_1279 : vector<16xf32>
      %add3A_1284 = arith.addf %add3A_1280, %add3A_1281 : vector<16xf32>
      %add3A_1285 = arith.addf %add3A_1282, %add3A_1283 : vector<16xf32>
      %add3A_1286 = arith.addf %add3A_1284, %add3A_1285 : vector<16xf32>
      %select_n3A = arith.select %ne3A_140, %add3A_348, %add3A_281 : vector<16xi1>, vector<16xf32>
      %select_n3A_1287 = arith.select %ne3A_140, %add3A_281, %add3A_348 : vector<16xi1>, vector<16xf32>
      %masked_sort3A = arith.constant dense<true> : vector<16xi1>
      %masked_sort3A_1288, %masked_sort3A_1289, %masked_sort3A_1290 = tpu.sort %bitcast3A, %select_n3A_1287 masked %masked_sort3A : (vector<16xi32>, vector<16xf32>, vector<16xi1>) -> (vector<16xi1>, vector<16xi32>, vector<16xf32>)
      %add3A_1291 = arith.addf %select_n3A, %masked_sort3A_1290 : vector<16xf32>
      %select_n3A_1292 = arith.select %ne3A_140, %add3A_482, %add3A_415 : vector<16xi1>, vector<16xf32>
      %select_n3A_1293 = arith.select %ne3A_140, %add3A_415, %add3A_482 : vector<16xi1>, vector<16xf32>
      %masked_sort3A_1294 = arith.constant dense<true> : vector<16xi1>
      %masked_sort3A_1295, %masked_sort3A_1296, %masked_sort3A_1297 = tpu.sort %bitcast3A, %select_n3A_1293 masked %masked_sort3A_1294 : (vector<16xi32>, vector<16xf32>, vector<16xi1>) -> (vector<16xi1>, vector<16xi32>, vector<16xf32>)
      %add3A_1298 = arith.addf %select_n3A_1292, %masked_sort3A_1297 : vector<16xf32>
      %select_n3A_1299 = arith.select %ne3A_140, %add3A_616, %add3A_549 : vector<16xi1>, vector<16xf32>
      %select_n3A_1300 = arith.select %ne3A_140, %add3A_549, %add3A_616 : vector<16xi1>, vector<16xf32>
      %masked_sort3A_1301 = arith.constant dense<true> : vector<16xi1>
      %masked_sort3A_1302, %masked_sort3A_1303, %masked_sort3A_1304 = tpu.sort %bitcast3A, %select_n3A_1300 masked %masked_sort3A_1301 : (vector<16xi32>, vector<16xf32>, vector<16xi1>) -> (vector<16xi1>, vector<16xi32>, vector<16xf32>)
      %add3A_1305 = arith.addf %select_n3A_1299, %masked_sort3A_1304 : vector<16xf32>
      %select_n3A_1306 = arith.select %ne3A_140, %add3A_750, %add3A_683 : vector<16xi1>, vector<16xf32>
      %select_n3A_1307 = arith.select %ne3A_140, %add3A_683, %add3A_750 : vector<16xi1>, vector<16xf32>
      %masked_sort3A_1308 = arith.constant dense<true> : vector<16xi1>
      %masked_sort3A_1309, %masked_sort3A_1310, %masked_sort3A_1311 = tpu.sort %bitcast3A, %select_n3A_1307 masked %masked_sort3A_1308 : (vector<16xi32>, vector<16xf32>, vector<16xi1>) -> (vector<16xi1>, vector<16xi32>, vector<16xf32>)
      %add3A_1312 = arith.addf %select_n3A_1306, %masked_sort3A_1311 : vector<16xf32>
      %select_n3A_1313 = arith.select %ne3A_140, %add3A_884, %add3A_817 : vector<16xi1>, vector<16xf32>
      %select_n3A_1314 = arith.select %ne3A_140, %add3A_817, %add3A_884 : vector<16xi1>, vector<16xf32>
      %masked_sort3A_1315 = arith.constant dense<true> : vector<16xi1>
      %masked_sort3A_1316, %masked_sort3A_1317, %masked_sort3A_1318 = tpu.sort %bitcast3A, %select_n3A_1314 masked %masked_sort3A_1315 : (vector<16xi32>, vector<16xf32>, vector<16xi1>) -> (vector<16xi1>, vector<16xi32>, vector<16xf32>)
      %add3A_1319 = arith.addf %select_n3A_1313, %masked_sort3A_1318 : vector<16xf32>
      %select_n3A_1320 = arith.select %ne3A_140, %add3A_1018, %add3A_951 : vector<16xi1>, vector<16xf32>
      %select_n3A_1321 = arith.select %ne3A_140, %add3A_951, %add3A_1018 : vector<16xi1>, vector<16xf32>
      %masked_sort3A_1322 = arith.constant dense<true> : vector<16xi1>
      %masked_sort3A_1323, %masked_sort3A_1324, %masked_sort3A_1325 = tpu.sort %bitcast3A, %select_n3A_1321 masked %masked_sort3A_1322 : (vector<16xi32>, vector<16xf32>, vector<16xi1>) -> (vector<16xi1>, vector<16xi32>, vector<16xf32>)
      %add3A_1326 = arith.addf %select_n3A_1320, %masked_sort3A_1325 : vector<16xf32>
      %select_n3A_1327 = arith.select %ne3A_140, %add3A_1152, %add3A_1085 : vector<16xi1>, vector<16xf32>
      %select_n3A_1328 = arith.select %ne3A_140, %add3A_1085, %add3A_1152 : vector<16xi1>, vector<16xf32>
      %masked_sort3A_1329 = arith.constant dense<true> : vector<16xi1>
      %masked_sort3A_1330, %masked_sort3A_1331, %masked_sort3A_1332 = tpu.sort %bitcast3A, %select_n3A_1328 masked %masked_sort3A_1329 : (vector<16xi32>, vector<16xf32>, vector<16xi1>) -> (vector<16xi1>, vector<16xi32>, vector<16xf32>)
      %add3A_1333 = arith.addf %select_n3A_1327, %masked_sort3A_1332 : vector<16xf32>
      %select_n3A_1334 = arith.select %ne3A_140, %add3A_1286, %add3A_1219 : vector<16xi1>, vector<16xf32>
      %select_n3A_1335 = arith.select %ne3A_140, %add3A_1219, %add3A_1286 : vector<16xi1>, vector<16xf32>
      %masked_sort3A_1336 = arith.constant dense<true> : vector<16xi1>
      %masked_sort3A_1337, %masked_sort3A_1338, %masked_sort3A_1339 = tpu.sort %bitcast3A, %select_n3A_1335 masked %masked_sort3A_1336 : (vector<16xi32>, vector<16xf32>, vector<16xi1>) -> (vector<16xi1>, vector<16xi32>, vector<16xf32>)
      %add3A_1340 = arith.addf %select_n3A_1334, %masked_sort3A_1339 : vector<16xf32>
      %select_n3A_1341 = arith.select %ne3A_146, %add3A_1298, %add3A_1291 : vector<16xi1>, vector<16xf32>
      %select_n3A_1342 = arith.select %ne3A_146, %add3A_1291, %add3A_1298 : vector<16xi1>, vector<16xf32>
      %masked_sort3A_1343 = arith.constant dense<true> : vector<16xi1>
      %masked_sort3A_1344, %masked_sort3A_1345, %masked_sort3A_1346 = tpu.sort %bitcast3A_164, %select_n3A_1342 masked %masked_sort3A_1343 : (vector<16xi32>, vector<16xf32>, vector<16xi1>) -> (vector<16xi1>, vector<16xi32>, vector<16xf32>)
      %add3A_1347 = arith.addf %select_n3A_1341, %masked_sort3A_1346 : vector<16xf32>
      %select_n3A_1348 = arith.select %ne3A_146, %add3A_1312, %add3A_1305 : vector<16xi1>, vector<16xf32>
      %select_n3A_1349 = arith.select %ne3A_146, %add3A_1305, %add3A_1312 : vector<16xi1>, vector<16xf32>
      %masked_sort3A_1350 = arith.constant dense<true> : vector<16xi1>
      %masked_sort3A_1351, %masked_sort3A_1352, %masked_sort3A_1353 = tpu.sort %bitcast3A_164, %select_n3A_1349 masked %masked_sort3A_1350 : (vector<16xi32>, vector<16xf32>, vector<16xi1>) -> (vector<16xi1>, vector<16xi32>, vector<16xf32>)
      %add3A_1354 = arith.addf %select_n3A_1348, %masked_sort3A_1353 : vector<16xf32>
      %select_n3A_1355 = arith.select %ne3A_146, %add3A_1326, %add3A_1319 : vector<16xi1>, vector<16xf32>
      %select_n3A_1356 = arith.select %ne3A_146, %add3A_1319, %add3A_1326 : vector<16xi1>, vector<16xf32>
      %masked_sort3A_1357 = arith.constant dense<true> : vector<16xi1>
      %masked_sort3A_1358, %masked_sort3A_1359, %masked_sort3A_1360 = tpu.sort %bitcast3A_164, %select_n3A_1356 masked %masked_sort3A_1357 : (vector<16xi32>, vector<16xf32>, vector<16xi1>) -> (vector<16xi1>, vector<16xi32>, vector<16xf32>)
      %add3A_1361 = arith.addf %select_n3A_1355, %masked_sort3A_1360 : vector<16xf32>
      %select_n3A_1362 = arith.select %ne3A_146, %add3A_1340, %add3A_1333 : vector<16xi1>, vector<16xf32>
      %select_n3A_1363 = arith.select %ne3A_146, %add3A_1333, %add3A_1340 : vector<16xi1>, vector<16xf32>
      %masked_sort3A_1364 = arith.constant dense<true> : vector<16xi1>
      %masked_sort3A_1365, %masked_sort3A_1366, %masked_sort3A_1367 = tpu.sort %bitcast3A_164, %select_n3A_1363 masked %masked_sort3A_1364 : (vector<16xi32>, vector<16xf32>, vector<16xi1>) -> (vector<16xi1>, vector<16xi32>, vector<16xf32>)
      %add3A_1368 = arith.addf %select_n3A_1362, %masked_sort3A_1367 : vector<16xf32>
      %select_n3A_1369 = arith.select %ne3A_152, %add3A_1354, %add3A_1347 : vector<16xi1>, vector<16xf32>
      %select_n3A_1370 = arith.select %ne3A_152, %add3A_1347, %add3A_1354 : vector<16xi1>, vector<16xf32>
      %masked_sort3A_1371 = arith.constant dense<true> : vector<16xi1>
      %masked_sort3A_1372, %masked_sort3A_1373, %masked_sort3A_1374 = tpu.sort %bitcast3A_168, %select_n3A_1370 masked %masked_sort3A_1371 : (vector<16xi32>, vector<16xf32>, vector<16xi1>) -> (vector<16xi1>, vector<16xi32>, vector<16xf32>)
      %add3A_1375 = arith.addf %select_n3A_1369, %masked_sort3A_1374 : vector<16xf32>
      %select_n3A_1376 = arith.select %ne3A_152, %add3A_1368, %add3A_1361 : vector<16xi1>, vector<16xf32>
      %select_n3A_1377 = arith.select %ne3A_152, %add3A_1361, %add3A_1368 : vector<16xi1>, vector<16xf32>
      %masked_sort3A_1378 = arith.constant dense<true> : vector<16xi1>
      %masked_sort3A_1379, %masked_sort3A_1380, %masked_sort3A_1381 = tpu.sort %bitcast3A_168, %select_n3A_1377 masked %masked_sort3A_1378 : (vector<16xi32>, vector<16xf32>, vector<16xi1>) -> (vector<16xi1>, vector<16xi32>, vector<16xf32>)
      %add3A_1382 = arith.addf %select_n3A_1376, %masked_sort3A_1381 : vector<16xf32>
      %select_n3A_1383 = arith.select %ne3A_158, %add3A_1382, %add3A_1375 : vector<16xi1>, vector<16xf32>
      %select_n3A_1384 = arith.select %ne3A_158, %add3A_1375, %add3A_1382 : vector<16xi1>, vector<16xf32>
      %masked_sort3A_1385 = arith.constant dense<true> : vector<16xi1>
      %masked_sort3A_1386, %masked_sort3A_1387, %masked_sort3A_1388 = tpu.sort %bitcast3A_172, %select_n3A_1384 masked %masked_sort3A_1385 : (vector<16xi32>, vector<16xf32>, vector<16xi1>) -> (vector<16xi1>, vector<16xi32>, vector<16xf32>)
      %add3A_1389 = arith.addf %select_n3A_1383, %masked_sort3A_1388 : vector<16xf32>
      %mul3A_1390 = arith.constant 16 : i32
      %mul3A_1391 = arith.muli %scan3A_178, %mul3A_1390 : i32
      %swap3A = arith.index_cast %mul3A_1391 : i32 to index
      %swap3A_1392 = tpu.vector_load %arg11[%swap3A] {strides = array<i32>} : memref<128xf32, #tpu.memory_space<vmem>>, vector<16xf32>,
      tpu.vector_store %arg11[%swap3A], %add3A_1389 {strides = array<i32>} : memref<128xf32, #tpu.memory_space<vmem>>, vector<16xf32>,
    }
    %scan3A_177 = arith.constant 8 : i32
    "tpu.region"() ({
      %run_scoped3A = tpu.sem_alloc : memref<!tpu.dma_semaphore, #tpu.memory_space<semaphore_mem>>
      %dma_start3A_178 = tpu.memref_slice %arg6[%mul3A_2] : memref<4096xf32, #tpu.memory_space<hbm>> -> memref<128xf32, #tpu.memory_space<hbm>>
      %dma_start3A_179 = tpu.memref_slice %arg6[%mul3A_2] : memref<4096xf32, #tpu.memory_space<hbm>> -> memref<128xf32, #tpu.memory_space<hbm>>
      tpu.enqueue_dma source(%arg11 : memref<128xf32, #tpu.memory_space<vmem>>) target(%dma_start3A_179 : memref<128xf32, #tpu.memory_space<hbm>>) target_semaphore(%run_scoped3A : memref<!tpu.dma_semaphore, #tpu.memory_space<semaphore_mem>>)
      %dma_wait3A_180 = tpu.memref_slice %arg6[%mul3A_2] : memref<4096xf32, #tpu.memory_space<hbm>> -> memref<128xf32, #tpu.memory_space<hbm>>
      %dma_wait3A_181 = tpu.memref_slice %arg6[%mul3A_2] : memref<4096xf32, #tpu.memory_space<hbm>> -> memref<128xf32, #tpu.memory_space<hbm>>
      tpu.wait_dma2 semaphore(%run_scoped3A : memref<!tpu.dma_semaphore, #tpu.memory_space<semaphore_mem>>) src(%arg11 : memref<128xf32, #tpu.memory_space<vmem>>) dst(%dma_wait3A_181 : memref<128xf32, #tpu.memory_space<hbm>>)
      tpu.yield
    }) : () -> ()
    return
  }
}

</mosaic_0001>

<sc_bundles>
// kernel: kernel.3.cloned.1.call-start
scs
__scs_entry_jumppad:
0x0: {  	(pc) =	sbr.rel $0x88, $3  }
0x1: {  	(tag) =	ssettag $0x0;
	lr =	simm.s32 $0x1  }
0x2: {  	[smem:$0x3F9D] =	sst lr;
	_ =	strace $0xD0000000  }
0x3: {  	_ = 	snop  }
0x4: {  	_ = 	snop  }
0x5: {  	_ = 	snop  }
0x6: {  	_ = 	snop  }
0x7: {  	_ = 	snop  }
__scs_overlays_trampoline_lowered:
0x8: {  	[smem:$0x3FAC] =	sst s0  }
0x9: {  	[smem:$0x3FAD] =	sst s1  }
0xa: {  	[smem:$0x3FAE] =	sst s2  }
0xb: {  	[smem:$0x3FAF] =	sst s3  }
0xc: {  	[smem:$0x3FB0] =	sst s4  }
0xd: {  	[smem:$0x3FB1] =	sst s5  }
0xe: {  	[smem:$0x3FB2] =	sst s6  }
0xf: {  	[smem:$0x3FB3] =	sst s7  }
0x10: {  	[smem:$0x3FB4] =	sst s8  }
0x11: {  	[smem:$0x3FB5] =	sst s9;
	s0 =	simm.s32 @!p0 $0x0  }
0x12: {  	s1 =	sld [smem:$0x3F9B];
	s0 =	simm.s32 @p0 $0x1  }
0x13: {  	[smem:$0x3FB6] =	sst s0;
	s0 =	simm.s32 @!p1 $0x0  }
0x14: {  	s2 =	sld [smem:$0x3F9A];
	s0 =	simm.s32 @p1 $0x1  }
0x15: {  	[smem:$0x3FB7] =	sst s0;
	s0 =	simm.s32 @!p2 $0x0  }
0x16: {  	s3 =	sld [smem:$0x3FDB];
	s0 =	simm.s32 @p2 $0x1  }
0x17: {  	s4 =	simm.s32 $0x1BF5;
	[smem:$0x3FB9] =	sst s0  }
0x18: {  	s0 =	sld [smem:$0x3F9C];
	_ =	swait.ge [sflag:s4], $0x0  }
0x19: {  	s7 =	sld [smem:$0x3F9D]  }
0x1a: {  	s8 =	sadd.s32 $0xFFFFE003, lr  }
0x1b: {  	s9 =	sadd.s32 $0xFFFFFEF7, lr;
	s5 =	simm.s32 $0xFFFFFFFF;
	p2 =	slt.u32 s8, $0xFFFFF086  }
0x1c: {  	p1 =	slt.u32 s9, $0xF7A;
	s5 =	simm.s32 @!p2 $0x0  }
0x1d: {  	s5 =	simm.s32 @p1 $0x1;
	p0 =	seq.s32 s7, s2  }
0x1e: {  	s7 =	smul.u32 @!p0 $0xF7A, s2;
	p2 =	seq.s32 @!p0 s5, $0x0  }
0x1f: {  	s9 =	smul.u32 $0xF7A, s1;
	s8 =	simm.s32 @!p0 $0x1BF5;
	p2 =	por !p2, p0  }
0x20: {  	[sflag:s8] =	ssyncset.s32 @!p0 $0xFFFFF086;
	s6 =	sadd.s32 @!p0 s3, s7;
	s7 =	simm.s32 @!p0 $0x108  }
0x21: {  	s3 =	sadd.s32 s3, s9;
	s6 =	sadd.s32 @!p0 $0x88, s6;
	s7 =	simm.s32 @p2 $0x1082  }
0x22: {  	[simem:s7], [sflag:s8] =	dma.local @!p0 [hbm:s6], $0xF7A  }
0x23: {  	s9 =	sor.u32 $0xD0000000, s2;
	s6 =	simm.s32 $0x108;
	_ =	swait.ge @!p0 [sflag:s8], $0x0  }
0x24: {  	s3 =	sadd.s32 $0x88, s3;
	s6 =	simm.s32 @!p1 $0x1082;
	[sflag:s4] =	ssyncset.s32 $0xFFFFF086  }
0x25: {  	[simem:s6], [sflag:s4] =	dma.local [hbm:s3], $0xF7A  }
0x26: {  	[smem:$0x3F9D] =	sst s1;
	(tag) =	ssettag s2;
	_ =	strace s9  }
0x27: {  	s1 =	sld [smem:$0x3FAD]  }
0x28: {  	s2 =	sld [smem:$0x3FAE]  }
0x29: {  	s4 =	sld [smem:$0x3FB0]  }
0x2a: {  	p0 =	seq.s32 s5, $0x0;
	s5 =	sld [smem:$0x3FB1]  }
0x2b: {  	s6 =	sld [smem:$0x3FB2]  }
0x2c: {  	s7 =	sld [smem:$0x3FB3]  }
0x2d: {  	s3 =	simm.s32 $0x108;
	s8 =	sld [smem:$0x3FB4]  }
0x2e: {  	s3 =	simm.s32 @!p0 $0x1082;
	s9 =	sld [smem:$0x3FB5]  }
0x2f: {  	lr =	sadd.s32 s0, s3;
	s0 =	sld [smem:$0x3FAC]  }
0x30: {  	s3 =	sld [smem:$0x3FAF]  }
0x31: {  	[smem:$0x3FB8] =	sst s10  }
0x32: {  	s10 =	sld [smem:$0x3FB6];
	_ =	sdelay $0x3  }
0x33: {  	p0 =	seq.s32 s10, $0x1;
	s10 =	sld [smem:$0x3FB8];
	_ =	sdelay $0x3  }
0x34: {  	[smem:$0x3FB8] =	sst s10  }
0x35: {  	s10 =	sld [smem:$0x3FB7];
	_ =	sdelay $0x3  }
0x36: {  	p1 =	seq.s32 s10, $0x1;
	s10 =	sld [smem:$0x3FB8];
	_ =	sdelay $0x3  }
0x37: {  	[smem:$0x3FB8] =	sst s10  }
0x38: {  	s10 =	sld [smem:$0x3FB9]  }
0x39: {  	_ = 	snop;
	(pc) =	sbr.ind lr, $3  }
0x3a: {  	_ = 	snop  }
0x3b: {  	_ = 	snop  }
0x3c: {  	p2 =	seq.s32 s10, $0x1;
	s10 =	sld [smem:$0x3FB8]  }
0x3d: {  	_ =	shalt  }
0x3e: {  	_ =	shalt  }
0x3f: {  	_ =	shalt  }
0x40: {  	_ =	shalt  }
0x41: {  	_ =	shalt  }
0x42: {  	_ =	shalt  }
0x43: {  	_ =	shalt  }
0x44: {  	_ =	shalt  }
0x45: {  	_ =	shalt  }
0x46: {  	_ =	shalt  }
0x47: {  	_ =	shalt  }
0x48: {  	_ =	shalt  }
0x49: {  	_ =	shalt  }
0x4a: {  	_ =	shalt  }
0x4b: {  	_ =	shalt  }
0x4c: {  	_ =	shalt  }
0x4d: {  	_ =	shalt  }
0x4e: {  	_ =	shalt  }
0x4f: {  	_ =	shalt  }
0x50: {  	_ =	shalt  }
0x51: {  	_ =	shalt  }
0x52: {  	_ =	shalt  }
0x53: {  	_ =	shalt  }
0x54: {  	_ =	shalt  }
0x55: {  	_ =	shalt  }
0x56: {  	_ =	shalt  }
0x57: {  	_ =	shalt  }
0x58: {  	_ =	shalt  }
0x59: {  	_ =	shalt  }
0x5a: {  	_ =	shalt  }
0x5b: {  	_ =	shalt  }
0x5c: {  	_ =	shalt  }
0x5d: {  	_ =	shalt  }
0x5e: {  	_ =	shalt  }
0x5f: {  	_ =	shalt  }
0x60: {  	_ =	shalt  }
0x61: {  	_ =	shalt  }
0x62: {  	_ =	shalt  }
0x63: {  	_ =	shalt  }
0x64: {  	_ =	shalt  }
0x65: {  	_ =	shalt  }
0x66: {  	_ =	shalt  }
0x67: {  	_ =	shalt  }
0x68: {  	_ =	shalt  }
0x69: {  	_ =	shalt  }
0x6a: {  	_ =	shalt  }
0x6b: {  	_ =	shalt  }
0x6c: {  	_ =	shalt  }
0x6d: {  	_ =	shalt  }
0x6e: {  	_ =	shalt  }
0x6f: {  	_ =	shalt  }
0x70: {  	_ =	shalt  }
0x71: {  	_ =	shalt  }
0x72: {  	_ =	shalt  }
0x73: {  	_ =	shalt  }
0x74: {  	_ =	shalt  }
0x75: {  	_ =	shalt  }
0x76: {  	_ =	shalt  }
0x77: {  	_ =	shalt  }
0x78: {  	_ =	shalt  }
0x79: {  	_ =	shalt  }
0x7a: {  	_ =	shalt  }
0x7b: {  	_ =	shalt  }
0x7c: {  	_ =	shalt  }
0x7d: {  	_ =	shalt  }
0x7e: {  	_ =	shalt  }
0x7f: {  	_ =	shalt  }
0x80: {  	_ =	shalt  }
0x81: {  	_ =	shalt  }
0x82: {  	_ =	shalt  }
0x83: {  	_ =	shalt  }
0x84: {  	_ =	shalt  }
0x85: {  	_ =	shalt  }
0x86: {  	_ =	shalt  }
0x87: {  	_ =	shalt  }
.Lfunc_end0:
.L_simem_size_0:
called_computation_lowered:
.L_overlay_start_0:
0x88: {  	s2 =	sld [smem:$0x3FD9]  }
0x89: {  	s3 =	sld [smem:$0x3FFE];
	_ =	sdelay $0x1  }
0x8a: {  	s1 =	srdreg.scid  }
0x8b: {  	s0 =	sand.u32 $0x1, s1  }
0x8c: {  	s18 =	sshll.u32 s0, $0xA;
	s2 =	sadd.s32 s3, s2  }
0x8d: {  	s2 =	sadd.s32 s2, s18  }
0x8e: {  	[smem:$0x3FC4] =	sst s2  }
0x8f: {  	_ = 	snop  }
0x90: {  	s2 =	sld [smem:$0x3FC9]  }
0x91: {  	s19 =	sld [smem:$0x3FC8]  }
0x92: {  	s4 =	sld [smem:$0x3FC7]  }
0x93: {  	s5 =	sld [smem:$0x3FC6]  }
0x94: {  	s6 =	sld [smem:$0x3FD0];
	(tm) =	ssettm $0x1  }
0x95: {  	s7 =	sld [smem:$0x3FFB];
	_ =	sdelay $0x3  }
0x96: {  	_ =	strace s7  }
0x97: {  	s7 =	sld [smem:$0x3FFC];
	_ =	sdelay $0x3  }
0x98: {  	_ =	strace s7  }
0x99: {  	s7 =	sld [smem:$0x3FFD];
	_ =	sdelay $0x3  }
0x9a: {  	_ =	strace s7  }
0x9b: {  	_ =	strace $0x8FFFFFFF  }
0x9c: {  	s20 =	sld [smem:$0x3FDB];
	_ =	sdelay $0x1  }
0x9d: {  	s8 =	simm.s32 $_scs_section_size  }
0x9e: {  	s9 =	simm.s32 $_size__tile_overlayer_lowered;
	s10 =	simm.s32 $_tile_overlayer_lowered  }
0x9f: {  	s23 =	simm.s32 $0x1BFF;
	s22 =	sshll.u32 s10, $0x1;
	s7 =	sadd.s32 s8, s20  }
0xa0: {  	s11 =	simm.s32 $0x0;
	s21 =	sshll.u32 s9, $0x1;
	s9 =	sadd.s32 s22, s7  }
0xa1: {  	[timem:s11], [sflag:s23] =	dma.local [hbm:s9], s21  }
0xa2: {  	_ =	swait.ge [sflag:s23], s21  }
0xa3: {  	s8 =	ssub.s32 $0x0, s21;
	[sflag:s23] =	ssyncset.done $0x0  }
0xa4: {  	[sflag:s23] =	ssyncadd.s32 s8;
	_ =	sdelay $0x1  }
0xa5: {  	s24 =	simm.s32 $0x1B8B  }
0xa6: {  	_ =	swait.ge [sflag:s24], $0x1  }
0xa7: {  	[sflag:s24] =	ssyncset.done $0x0  }
0xa8: {  	s25 =	simm.s32 $0x1B8E;
	[sflag:s24] =	ssyncadd.s32 $0xFFFFFFFF  }
0xa9: {  	s26 =	simm.s32 $execute0_lowered;
	[smem:$0x3FD2] =	sst s25  }
0xaa: {  	s8 =	sshll.u32 s26, $0x1;
	_ =	strace $0x80000046;
	[dreg:$0x1] =	wrdreg $0xFFFFFFFF  }
0xab: {  	s28 =	simm.s32 $_size_execute0_lowered;
	s7 =	sadd.s32 s7, s8;
	[dreg:$0x0] =	wrdreg $0x0  }
0xac: {  	s8 =	sshll.u32 s28, $0x1;
	[dreg:$0x2] =	wrdreg s7  }
0xad: {  	[dreg:$0x3] =	wrdreg s8  }
0xae: {  	[dreg:$0x4] =	wrdreg $0xC0  }
0xaf: {  	_ =	task [dreg:s11], $0x5FFFF  }
0xb0: {  	[dreg:$0x1] =	wrdreg $0xFFFFFFFF  }
0xb1: {  	[dreg:$0x0] =	wrdreg $0x60  }
0xb2: {  	[dreg:$0x2] =	wrdreg s2  }
0xb3: {  	[dreg:$0x3] =	wrdreg s19  }
0xb4: {  	[dreg:$0x4] =	wrdreg s4  }
0xb5: {  	[dreg:$0x5] =	wrdreg s5  }
0xb6: {  	[dreg:$0x6] =	wrdreg s6  }
0xb7: {  	[dreg:$0x7] =	wrdreg $0x9  }
0xb8: {  	_ =	task.clear_ibuf [dreg:s11], $0x8FFFF;
	_ =	strace $0x90000046  }
0xb9: {  	s29 =	simm.s32 $0x9;
	_ =	strace $0x80000048  }
0xba: {  	_ =	swait.ge [sflag:s29], $0x1  }
0xbb: {  	[sflag:s29] =	ssyncadd.s32 $0xFFFFFFFF  }
0xbc: {  	_ =	strace $0x90000048  }
0xbd: {  	_ =	sfence  }
0xbe: {  	s30 =	sld [smem:$0x0];
	_ =	sdelay $0x2  }
0xbf: {  	s31 =	sshll.u32 s1, $0xD;
	s1 =	sshrl.u32 s1, $0x2  }
0xc0: {  	s3 =	sand.u32 $0x4000, s31;
	s1 =	sadd.s32 s1, s30  }
0xc1: {  	s0 =	sor.u32 s3, s0;
	s1 =	sshll.u32 s1, $0x11  }
0xc2: {  	s0 =	sor.u32 s1, s0  }
0xc3: {  	s0 =	sadd.s32 $0x8F2B, s0  }
0xc4: {  	[sflag:s0] =	ssyncadd.remote.s32 $0x1  }
0xc5: {  	_ =	sfence.sel $0xFFFF  }
0xc6: {  	[dreg:$0x0] =	wrdreg $0xFFFFFFFF;
	(pc) =	sbr.abs _section_cstart, $3  }
0xc7: {  	[dreg:$0x1] =	wrdreg $0xFFFFFFFF  }
0xc8: {  	_ =	task.clear_ibuf [dreg:s11], $0x2FFFF;
	_ =	strace $0x9FFFFFFF  }
0xc9: {  	(tm) =	ssettm $0x7FFFFFFF  }
tec
execute0_lowered:
.L_overlay_start_1:
0x0: {  	(tag) =	ssettag $0x1  }
0x1: {  	vm0 =	vcmask $0xB08;
	vm1 =	vcmask $0x300  }
0x2: {  	v0 =	vimm.s32 $0xEFCDAB89;
	v1 =	vimm.s32 $0x67452301;
	v2 =	vimm.s32 $0xDCFE98BA  }
0x3: {  	v57 =	vimm.s32 $0x54761032;
	v3 =	vimm.s32 $0xBA98FEDC;
	v4 =	vimm.s32 $0x32107654  }
0x4: {  	vm2 =	vcmask $0x700;
	v58 =	vimm.s32 $0xFEDCBA98;
	v59 =	vimm.s32 $0x76543210  }
0x5: {  	s2 =	rddreg [dreg:$0x0];
	vm0 =	vmor vm1, vm0;
	vm1 =	vcmask $0x1310;
	v0 =	vunpack.c.l.s4.s8 v0  }
0x6: {  	s4 =	rddreg [dreg:$0x1];
	v1 =	vunpack.c.l.s4.s8 v1;
	v56 =	vunpack.c.l.s4.s8 v2;
	v2 =	vunpack.c.l.s4.s8 v57  }
0x7: {  	s0 =	rddreg [dreg:$0x2];
	v3 =	vunpack.c.l.s4.s8 v3;
	vm0 =	vmor vm0, vm1;
	vm1 =	vcmask $0x1B18  }
0x8: {  	s1 =	rddreg [dreg:$0x3];
	vm0 =	vmor vm0, vm1;
	vm1 =	vcmask $0x2320;
	v0 =	vunpack.c.0.s8.s32 v0  }
0x9: {  	s7 =	rddreg [dreg:$0x4];
	s5 =	srdreg.scid;
	s3 =	simm.s32 $0x0;
	v1 =	vunpack.c.0.s8.s32 v1;
	vm0 =	vmor vm0, vm1;
	vm1 =	vcmask $0x2B28  }
0xa: {  	s9 =	stileid.u32;
	s10 =	simm.s32 $0x9;
	s11 =	simm.s32 $0x10;
	v4 =	vunpack.c.l.s4.s8 v4;
	v2 =	vunpack.c.0.s8.s32 v2;
	vm0 =	vmor vm0, vm1  }
0xb: {  	s29 =	simm.s32 $0x6100;
	s30 =	simm.s32 $0x50;
	s31 =	simm.s32 $0x2900;
	vm1 =	vcmask $0x3330;
	v0 =	vcombine.low v1, v0;
	v1 =	vunpack.c.0.s8.s32 v56  }
0xc: {  	s12 =	simm.s32 $0x60;
	s13 =	simm.s32 $0x3100;
	s14 =	simm.s32 $0xE0;
	v3 =	vunpack.c.0.s8.s32 v3;
	v4 =	vunpack.c.0.s8.s32 v4;
	vm0 =	vmor vm0, vm1  }
0xd: {  	s15 =	simm.s32 $0x7100;
	s16 =	simm.s32 $0x70;
	s17 =	simm.s32 $0x3900;
	vm1 =	vcmask $0x3B38;
	v1 =	vcombine.low v2, v1;
	v2 =	vunpack.c.l.s4.s8 v58  }
0xe: {  	s18 =	simm.s32 $0xF0;
	s19 =	simm.s32 $0x7900;
	s20 =	simm.s32 $0x8100;
	v3 =	vcombine.low v4, v3;
	v4 =	vunpack.c.l.s4.s8 v59;
	vm0 =	vmor vm0, vm1  }
0xf: {  	s21 =	simm.s32 $0xA;
	s5 =	sand.u32 $0x1, s5;
	[smem:$0x7FF] =	sst s3;
	vm1 =	vcmask $0x1710;
	v0 =	vand.u32 $0xF, v0;
	v2 =	vunpack.c.0.s8.s32 v2  }
0x10: {  	s9 =	sshll.u32 s9, $0x5;
	s6 =	ssub.s32 $0x2, s5;
	s5 =	sshll.u32 s5, $0x4;
	v4 =	vunpack.c.0.s8.s32 v4;
	vm1 =	vmor vm2, vm1;
	vm2 =	vcmask $0x2720  }
0x11: {  	_ =	strace $0x80000047;
	s8 =	sshrl.u32 s6, $0x1;
	s9 =	sor.u32 s5, s9;
	v62 =	vand.u32 $0xF, v3;
	[tilespmem:$0x1FFC0] =	vst v0;
	vm1 =	vmor vm1, vm2;
	v61 =	vand.u32 $0xF, v2  }
0x12: {  	s22 =	simm.s32 $0x0;
	s8 =	ssub.s32 s6, s8;
	s5 =	sadd.s32 s2, s9;
	[tilespmem:$0x1FFE0] =	vst v62;
	vm2 =	vcmask $0x3730;
	v60 =	vand.u32 $0xF, v1;
	v63 =	vcombine.low v61, v4  }
0x13: {  	vm3 =	vcmask $0xF00;
	s6 =	sadd.s32 s4, s9;
	s7 =	sadd.s32 s7, s9;
	s9 =	simm.s32 $0x80;
	vm1 =	vmor vm1, vm2;
	vm2 =	vcmask $0x2F20;
	[tilespmem:$0x1FFD0] =	vst v60  }
0x14: {  	s2 =	simm.s32 $0xD0;
	s4 =	simm.s32 $0x6900;
	s8 =	smax.u32 s8, $0x1;
	vm2 =	vmor vm3, vm2;
	vm3 =	vmmov $0xff;
	[tilespmem:$0x1FFF0] =	vst v63  }
.LBB2_1:
0x15: {  	[tilespmem:s3], [sflag:$0x9] =	stream.linear.gather [hbm4b:s5+s3], $0x80, $0x38;
	[tilespmem:$0x8180] =	vst v63  }
0x16: {  	_ = 	snop  }
0x17: {  	[tilespmem:s9], [sflag:$0x9] =	stream.linear.gather [hbm4b:s6+s3], $0x80, $0x38;
	[tilespmem:$0x8180] =	vst v63  }
0x18: {  	_ =	swait.ge [sflag:s10], $0x80  }
0x19: {  	[sflag:s10] =	ssyncset.done $0x0  }
0x1a: {  	[sflag:s10] =	ssyncadd.s32 $0xFFFFFF80  }
0x1b: {  	_ =	swait.ge [sflag:s10], $0x80  }
0x1c: {  	[sflag:s10] =	ssyncset.done $0x0  }
0x1d: {  	s23 =	simm.s32 $0x100;
	[sflag:s10] =	ssyncadd.s32 $0xFFFFFF80  }
0x1e: {  	[tilespmem:s23], [sflag:$0x1] =	stream.indirect.gather [hbm4b:s0+s11], $0x80, s3, s11, $0xb8;
	[tilespmem:$0x8180] =	vst v63  }
0x1f: {  	s25 =	simm.s32 $0x4100  }
0x20: {  	[tilespmem:s25], [sflag:$0x1] =	stream.indirect.gather [hbm4b:s1+s11], $0x80, s9, s11, $0xb8;
	[tilespmem:$0x8180] =	vst v63  }
0x21: {  	s26 =	simm.s32 $0x900  }
0x22: {  	[tilespmem:s26], [sflag:$0x2] =	stream.indirect.gather [hbm4b:s0+s11], $0x80, s11, s11, $0xb8;
	[tilespmem:$0x8180] =	vst v63  }
0x23: {  	s28 =	simm.s32 $0x90;
	s24 =	simm.s32 $0x4900  }
0x24: {  	[tilespmem:s24], [sflag:$0x2] =	stream.indirect.gather [hbm4b:s1+s11], $0x80, s28, s11, $0xb8;
	[tilespmem:$0x8180] =	vst v63  }
0x25: {  	s25 =	simm.s32 $0x1100;
	s24 =	simm.s32 $0x20  }
0x26: {  	[tilespmem:s25], [sflag:$0x3] =	stream.indirect.gather [hbm4b:s0+s11], $0x80, s24, s11, $0xb8;
	[tilespmem:$0x8180] =	vst v63  }
0x27: {  	s26 =	simm.s32 $0xA0;
	s28 =	simm.s32 $0x5100  }
0x28: {  	[tilespmem:s28], [sflag:$0x3] =	stream.indirect.gather [hbm4b:s1+s11], $0x80, s26, s11, $0xb8;
	[tilespmem:$0x8180] =	vst v63  }
0x29: {  	s24 =	simm.s32 $0x30;
	s25 =	simm.s32 $0x1900  }
0x2a: {  	[tilespmem:s25], [sflag:$0x4] =	stream.indirect.gather [hbm4b:s0+s11], $0x80, s24, s11, $0xb8;
	[tilespmem:$0x8180] =	vst v63  }
0x2b: {  	s26 =	simm.s32 $0xB0;
	s28 =	simm.s32 $0x5900  }
0x2c: {  	[tilespmem:s28], [sflag:$0x4] =	stream.indirect.gather [hbm4b:s1+s11], $0x80, s26, s11, $0xb8;
	[tilespmem:$0x8180] =	vst v63  }
0x2d: {  	s25 =	simm.s32 $0x40;
	s26 =	simm.s32 $0x2100  }
0x2e: {  	[tilespmem:s26], [sflag:$0x5] =	stream.indirect.gather [hbm4b:s0+s11], $0x80, s25, s11, $0xb8;
	[tilespmem:$0x8180] =	vst v63  }
0x2f: {  	s28 =	simm.s32 $0xC0  }
0x30: {  	[tilespmem:s29], [sflag:$0x5] =	stream.indirect.gather [hbm4b:s1+s11], $0x80, s28, s11, $0xb8;
	[tilespmem:$0x8180] =	vst v63  }
0x31: {  	_ = 	snop  }
0x32: {  	[tilespmem:s31], [sflag:$0x6] =	stream.indirect.gather [hbm4b:s0+s11], $0x80, s30, s11, $0xb8;
	[tilespmem:$0x8180] =	vst v63  }
0x33: {  	_ = 	snop  }
0x34: {  	[tilespmem:s4], [sflag:$0x6] =	stream.indirect.gather [hbm4b:s1+s11], $0x80, s2, s11, $0xb8;
	[tilespmem:$0x8180] =	vst v63  }
0x35: {  	_ = 	snop  }
0x36: {  	[tilespmem:s13], [sflag:$0x7] =	stream.indirect.gather [hbm4b:s0+s11], $0x80, s12, s11, $0xb8;
	[tilespmem:$0x8180] =	vst v63  }
0x37: {  	_ = 	snop  }
0x38: {  	[tilespmem:s15], [sflag:$0x7] =	stream.indirect.gather [hbm4b:s1+s11], $0x80, s14, s11, $0xb8;
	[tilespmem:$0x8180] =	vst v63  }
0x39: {  	_ = 	snop  }
0x3a: {  	[tilespmem:s17], [sflag:$0x8] =	stream.indirect.gather [hbm4b:s0+s11], $0x80, s16, s11, $0xb8;
	[tilespmem:$0x8180] =	vst v63  }
0x3b: {  	s23 =	simm.s32 $0x0  }
0x3c: {  	[tilespmem:s19], [sflag:$0x8] =	stream.indirect.gather [hbm4b:s1+s11], $0x80, s18, s11, $0xb8;
	[tilespmem:$0x8180] =	vst v63  }
.LBB2_2:
0x3d: {  	p0 =	sgt.s32 s23, $0x3  }
0x3e: {  	p4 =	sgt.s32 @p0 s23, $0x5  }
0x3f: {  	p1 =	por !p4, !p0  }
0x40: {  	s24 =	simm.s32 @!p1 $0x0;
	p2 =	seq.s32 @!p1 s23, $0x6  }
0x41: {  	s24 =	simm.s32 @p1 $0x1;
	p3 =	por @p0 p2, !p4;
	p2 =	por @p0 !p2, !p4  }
0x42: {  	[smem:$0x7FD] =	sst s24;
	p3 =	por p3, !p0;
	p2 =	por !p2, !p0  }
0x43: {  	[smem:$0x7FC] =	sst s0;
	s25 =	simm.s32 @!p3 $0x8;
	p3 =	por p4, !p0  }
0x44: {  	s0 =	sld [smem:$0x7FD];
	p5 =	seq.s32 @!p3 s23, $0x4;
	p3 =	sgt.s32 @!p0 s23, $0x1  }
0x45: {  	s25 =	simm.s32 @p2 $0x7;
	p6 =	por @p0 p5, p4;
	p2 =	por !p3, p0  }
0x46: {  	p4 =	por @p0 !p5, p4;
	p5 =	por p6, !p0;
	p6 =	seq.s32 @!p2 s23, $0x2  }
0x47: {  	p1 =	por p3, p0;
	s26 =	simm.s32 @!p5 $0x6;
	p5 =	por @!p0 p6, !p3  }
0x48: {  	p4 =	por !p4, !p0;
	p1 =	seq.s32 @!p1 s23, $0x0;
	p5 =	por p5, p0  }
0x49: {  	s26 =	simm.s32 @p4 $0x5;
	p4 =	por @!p0 p1, p3;
	p1 =	por @!p0 !p1, p3  }
0x4a: {  	s24 =	simm.s32 @!p5 $0x4;
	p5 =	por @!p0 !p6, !p3;
	p3 =	por p4, p0  }
0x4b: {  	p1 =	por !p1, p0;
	s28 =	simm.s32 @!p3 $0x2;
	p3 =	por !p5, p0  }
0x4c: {  	s24 =	simm.s32 @p3 $0x3;
	s28 =	simm.s32 @p1 $0x1;
	p1 =	seq.s32 s0, $0x1  }
0x4d: {  	s25 =	smov.u32 @p1 s26;
	s24 =	smov.u32 @p2 s28  }
0x4e: {  	s24 =	smov.u32 @p0 s25  }
0x4f: {  	s0 =	sld [smem:$0x7FC];
	_ =	swait.ge [sflag:s24], $0x800  }
0x50: {  	[sflag:s24] =	ssyncset.done $0x0  }
0x51: {  	[sflag:s24] =	ssyncadd.s32 $0xFFFFF800  }
0x52: {  	_ =	swait.ge [sflag:s24], $0x800  }
0x53: {  	[sflag:s24] =	ssyncset.done $0x0  }
0x54: {  	s26 =	sshll.u32 s23, $0xB;
	[sflag:s24] =	ssyncadd.s32 $0xFFFFF800  }
0x55: {  	v0 =	vld [tilespmem:s26+$0x100]  }
0x56: {  	v31 =	vld [tilespmem:s26+$0x4100]  }
0x57: {  	v29 =	vld [tilespmem:s26+$0x110]  }
0x58: {  	v25 =	vld [tilespmem:s26+$0x4110]  }
0x59: {  	v30 =	vld [tilespmem:s26+$0x120]  }
0x5a: {  	v26 =	vld [tilespmem:s26+$0x4120]  }
0x5b: {  	v27 =	vld [tilespmem:s26+$0x130]  }
0x5c: {  	v13 =	vld [tilespmem:s26+$0x4130]  }
0x5d: {  	v28 =	vld [tilespmem:s26+$0x140]  }
0x5e: {  	v14 =	vld [tilespmem:s26+$0x4140]  }
0x5f: {  	v15 =	vld [tilespmem:s26+$0x150]  }
0x60: {  	v8 =	vld [tilespmem:s26+$0x4150]  }
0x61: {  	v16 =	vld [tilespmem:s26+$0x160]  }
0x62: {  	v2 =	vld [tilespmem:s26+$0x4160]  }
0x63: {  	v3 =	vld [tilespmem:s26+$0x170]  }
0x64: {  	v1 =	vld [tilespmem:s26+$0x4170]  }
0x65: {  	v21 =	vld [tilespmem:s26+$0x180]  }
0x66: {  	v17 =	vld [tilespmem:s26+$0x4180]  }
0x67: {  	v11 =	vld [tilespmem:s26+$0x190]  }
0x68: {  	v4 =	vld [tilespmem:s26+$0x4190]  }
0x69: {  	v22 =	vld [tilespmem:s26+$0x1A0]  }
0x6a: {  	v19 =	vld [tilespmem:s26+$0x41A0]  }
0x6b: {  	v20 =	vld [tilespmem:s26+$0x1B0]  }
0x6c: {  	v5 =	vld [tilespmem:s26+$0x41B0]  }
0x6d: {  	v18 =	vld [tilespmem:s26+$0x1C0]  }
0x6e: {  	v9 =	vld [tilespmem:s26+$0x41C0]  }
0x6f: {  	v53 =	vld [tilespmem:s26+$0x1D0]  }
0x70: {  	v6 =	vld [tilespmem:s26+$0x41D0]  }
0x71: {  	v24 =	vld [tilespmem:s26+$0x1E0]  }
0x72: {  	v10 =	vld [tilespmem:s26+$0x41E0]  }
0x73: {  	v12 =	vld [tilespmem:s26+$0x1F0]  }
0x74: {  	v7 =	vld [tilespmem:s26+$0x41F0]  }
0x75: {  	v58 =	vld [tilespmem:s26+$0x200]  }
0x76: {  	v55 =	vld [tilespmem:s26+$0x4200]  }
0x77: {  	v56 =	vld [tilespmem:s26+$0x210]  }
0x78: {  	v36 =	vld [tilespmem:s26+$0x4210]  }
0x79: {  	v61 =	vld [tilespmem:s26+$0x220]  }
0x7a: {  	v46 =	vld [tilespmem:s26+$0x4220]  }
0x7b: {  	v47 =	vld [tilespmem:s26+$0x230]  }
0x7c: {  	v38 =	vld [tilespmem:s26+$0x4230]  }
0x7d: {  	v63 =	vld [tilespmem:s26+$0x240]  }
0x7e: {  	v49 =	vld [tilespmem:s26+$0x4240]  }
0x7f: {  	v48 =	vld [tilespmem:s26+$0x250]  }
0x80: {  	v23 =	vld [tilespmem:s26+$0x280]  }
0x81: {  	v39 =	vld [tilespmem:s26+$0x4250]  }
0x82: {  	v50 =	vld [tilespmem:s26+$0x260]  }
0x83: {  	v40 =	vld [tilespmem:s26+$0x4260]  }
0x84: {  	v41 =	vld [tilespmem:s26+$0x270]  }
0x85: {  	v32 =	vld [tilespmem:s26+$0x4270];
	[tilespmem:$0x1F7B0] =	vst v23  }
0x86: {  	v23 =	vld [tilespmem:s26+$0x300];
	_ =	sdelay $0x4  }
0x87: {  	[tilespmem:$0x1F7C0] =	vst v23;
	v23 =	vld [tilespmem:s26+$0x4300];
	_ =	sdelay $0x4  }
0x88: {  	[tilespmem:$0x1F7D0] =	vst v23;
	v23 =	vld [tilespmem:s26+$0x310];
	_ =	sdelay $0x4  }
0x89: {  	[tilespmem:$0x1F7E0] =	vst v23;
	v23 =	vld [tilespmem:s26+$0x4310];
	_ =	sdelay $0x4  }
0x8a: {  	[tilespmem:$0x1F7F0] =	vst v23;
	v23 =	vld [tilespmem:s26+$0x320];
	_ =	sdelay $0x4  }
0x8b: {  	[tilespmem:$0x1F800] =	vst v23;
	v23 =	vld [tilespmem:s26+$0x4320];
	_ =	sdelay $0x4  }
0x8c: {  	[tilespmem:$0x1F810] =	vst v23;
	v23 =	vld [tilespmem:s26+$0x330];
	_ =	sdelay $0x4  }
0x8d: {  	[tilespmem:$0x1F820] =	vst v23;
	v23 =	vld [tilespmem:s26+$0x4330];
	_ =	sdelay $0x4  }
0x8e: {  	[tilespmem:$0x1F830] =	vst v23;
	v23 =	vld [tilespmem:s26+$0x340];
	_ =	sdelay $0x4  }
0x8f: {  	[tilespmem:$0x1F840] =	vst v23;
	v23 =	vld [tilespmem:s26+$0x4340];
	_ =	sdelay $0x4  }
0x90: {  	[tilespmem:$0x1F850] =	vst v23;
	v23 =	vld [tilespmem:s26+$0x350];
	_ =	sdelay $0x4  }
0x91: {  	[tilespmem:$0x1F860] =	vst v23;
	v23 =	vld [tilespmem:s26+$0x4350];
	_ =	sdelay $0x4  }
0x92: {  	[tilespmem:$0x1F870] =	vst v23;
	v23 =	vld [tilespmem:s26+$0x360];
	_ =	sdelay $0x4  }
0x93: {  	[tilespmem:$0x1F880] =	vst v23;
	v23 =	vld [tilespmem:s26+$0x4360];
	_ =	sdelay $0x4  }
0x94: {  	[tilespmem:$0x1F890] =	vst v23;
	v23 =	vld [tilespmem:s26+$0x370];
	_ =	sdelay $0x4  }
0x95: {  	[tilespmem:$0x1F8A0] =	vst v23;
	v23 =	vld [tilespmem:s26+$0x4370];
	_ =	sdelay $0x4  }
0x96: {  	[tilespmem:$0x1F8B0] =	vst v23;
	v23 =	vld [tilespmem:s26+$0x380];
	_ =	sdelay $0x4  }
0x97: {  	[tilespmem:$0x1F8C0] =	vst v23;
	v23 =	vld [tilespmem:s26+$0x4380];
	_ =	sdelay $0x4  }
0x98: {  	[tilespmem:$0x1F8D0] =	vst v23;
	v23 =	vld [tilespmem:s26+$0x390];
	_ =	sdelay $0x4  }
0x99: {  	[tilespmem:$0x1F8E0] =	vst v23;
	v23 =	vld [tilespmem:s26+$0x4390];
	_ =	sdelay $0x4  }
0x9a: {  	[tilespmem:$0x1F8F0] =	vst v23;
	v23 =	vld [tilespmem:s26+$0x3A0];
	_ =	sdelay $0x4  }
0x9b: {  	[tilespmem:$0x1F900] =	vst v23;
	v23 =	vld [tilespmem:s26+$0x43A0];
	_ =	sdelay $0x4  }
0x9c: {  	[tilespmem:$0x1F910] =	vst v23;
	v23 =	vld [tilespmem:s26+$0x3B0];
	_ =	sdelay $0x4  }
0x9d: {  	[tilespmem:$0x1F920] =	vst v23;
	v23 =	vld [tilespmem:s26+$0x43B0];
	_ =	sdelay $0x4  }
0x9e: {  	[tilespmem:$0x1F930] =	vst v23;
	v23 =	vld [tilespmem:s26+$0x3C0];
	_ =	sdelay $0x4  }
0x9f: {  	[tilespmem:$0x1F940] =	vst v23;
	v23 =	vld [tilespmem:s26+$0x43C0];
	_ =	sdelay $0x4  }
0xa0: {  	[tilespmem:$0x1F950] =	vst v23;
	v23 =	vld [tilespmem:s26+$0x3D0];
	_ =	sdelay $0x4  }
0xa1: {  	[tilespmem:$0x1F960] =	vst v23;
	v23 =	vld [tilespmem:s26+$0x43D0];
	_ =	sdelay $0x4  }
0xa2: {  	[tilespmem:$0x1F970] =	vst v23;
	v23 =	vld [tilespmem:s26+$0x3E0];
	_ =	sdelay $0x4  }
0xa3: {  	[tilespmem:$0x1F980] =	vst v23;
	v23 =	vld [tilespmem:s26+$0x43E0];
	_ =	sdelay $0x4  }
0xa4: {  	[tilespmem:$0x1F990] =	vst v23;
	v23 =	vld [tilespmem:s26+$0x3F0];
	_ =	sdelay $0x4  }
0xa5: {  	[tilespmem:$0x1F9A0] =	vst v23;
	v23 =	vld [tilespmem:s26+$0x43F0];
	_ =	sdelay $0x4  }
0xa6: {  	[tilespmem:$0x1F9B0] =	vst v23;
	v23 =	vld [tilespmem:s26+$0x400];
	_ =	sdelay $0x4  }
0xa7: {  	[tilespmem:$0x1F9C0] =	vst v23;
	v23 =	vld [tilespmem:s26+$0x4400];
	_ =	sdelay $0x4  }
0xa8: {  	[tilespmem:$0x1F9D0] =	vst v23;
	v23 =	vld [tilespmem:s26+$0x410];
	_ =	sdelay $0x4  }
0xa9: {  	[tilespmem:$0x1F9E0] =	vst v23;
	v23 =	vld [tilespmem:s26+$0x4410];
	_ =	sdelay $0x4  }
0xaa: {  	[tilespmem:$0x1F9F0] =	vst v23;
	v23 =	vld [tilespmem:s26+$0x420];
	_ =	sdelay $0x4  }
0xab: {  	[tilespmem:$0x1FA00] =	vst v23;
	v23 =	vld [tilespmem:s26+$0x4420];
	_ =	sdelay $0x4  }
0xac: {  	[tilespmem:$0x1FA10] =	vst v23;
	v23 =	vld [tilespmem:s26+$0x430];
	_ =	sdelay $0x4  }
0xad: {  	[tilespmem:$0x1FA20] =	vst v23;
	v23 =	vld [tilespmem:s26+$0x4430];
	_ =	sdelay $0x4  }
0xae: {  	[tilespmem:$0x1FA30] =	vst v23;
	v23 =	vld [tilespmem:s26+$0x440];
	_ =	sdelay $0x4  }
0xaf: {  	[tilespmem:$0x1FA40] =	vst v23;
	v23 =	vld [tilespmem:s26+$0x4440];
	_ =	sdelay $0x4  }
0xb0: {  	[tilespmem:$0x1FA50] =	vst v23;
	v23 =	vld [tilespmem:s26+$0x450];
	_ =	sdelay $0x4  }
0xb1: {  	[tilespmem:$0x1FA60] =	vst v23;
	v23 =	vld [tilespmem:s26+$0x4450];
	_ =	sdelay $0x4  }
0xb2: {  	[tilespmem:$0x1FA70] =	vst v23;
	v23 =	vld [tilespmem:s26+$0x460];
	_ =	sdelay $0x4  }
0xb3: {  	[tilespmem:$0x1FA80] =	vst v23;
	v23 =	vld [tilespmem:s26+$0x4460];
	_ =	sdelay $0x4  }
0xb4: {  	[tilespmem:$0x1FA90] =	vst v23;
	v23 =	vld [tilespmem:s26+$0x470];
	_ =	sdelay $0x4  }
0xb5: {  	[tilespmem:$0x1FAA0] =	vst v23;
	v23 =	vld [tilespmem:s26+$0x4470];
	_ =	sdelay $0x4  }
0xb6: {  	[tilespmem:$0x1FAB0] =	vst v23;
	v23 =	vld [tilespmem:s26+$0x480];
	_ =	sdelay $0x4  }
0xb7: {  	[tilespmem:$0x1FAC0] =	vst v23;
	v23 =	vld [tilespmem:s26+$0x4480];
	_ =	sdelay $0x4  }
0xb8: {  	[tilespmem:$0x1FAD0] =	vst v23;
	v23 =	vld [tilespmem:s26+$0x490];
	_ =	sdelay $0x4  }
0xb9: {  	[tilespmem:$0x1FAE0] =	vst v23;
	v23 =	vld [tilespmem:s26+$0x4490];
	_ =	sdelay $0x4  }
0xba: {  	[tilespmem:$0x1FAF0] =	vst v23;
	v23 =	vld [tilespmem:s26+$0x4A0];
	_ =	sdelay $0x4  }
0xbb: {  	[tilespmem:$0x1FB00] =	vst v23;
	v23 =	vld [tilespmem:s26+$0x44A0];
	_ =	sdelay $0x4  }
0xbc: {  	[tilespmem:$0x1FB10] =	vst v23;
	v23 =	vld [tilespmem:s26+$0x4B0];
	_ =	sdelay $0x4  }
0xbd: {  	[tilespmem:$0x1FB20] =	vst v23;
	v23 =	vld [tilespmem:s26+$0x44B0];
	_ =	sdelay $0x4  }
0xbe: {  	[tilespmem:$0x1FB30] =	vst v23;
	v23 =	vld [tilespmem:s26+$0x4C0];
	_ =	sdelay $0x4  }
0xbf: {  	[tilespmem:$0x1FB40] =	vst v23;
	v23 =	vld [tilespmem:s26+$0x44C0];
	_ =	sdelay $0x4  }
0xc0: {  	[tilespmem:$0x1FB50] =	vst v23;
	v23 =	vld [tilespmem:s26+$0x4D0];
	_ =	sdelay $0x4  }
0xc1: {  	[tilespmem:$0x1FB60] =	vst v23;
	v23 =	vld [tilespmem:s26+$0x44D0];
	_ =	sdelay $0x4  }
0xc2: {  	[tilespmem:$0x1FB70] =	vst v23;
	v23 =	vld [tilespmem:s26+$0x4E0];
	_ =	sdelay $0x4  }
0xc3: {  	[tilespmem:$0x1FB80] =	vst v23;
	v23 =	vld [tilespmem:s26+$0x44E0];
	_ =	sdelay $0x4  }
0xc4: {  	[tilespmem:$0x1FB90] =	vst v23;
	v23 =	vld [tilespmem:s26+$0x4F0];
	_ =	sdelay $0x4  }
0xc5: {  	[tilespmem:$0x1FBA0] =	vst v23;
	v23 =	vld [tilespmem:s26+$0x44F0];
	_ =	sdelay $0x4  }
0xc6: {  	[tilespmem:$0x1FBB0] =	vst v23;
	v23 =	vld [tilespmem:s26+$0x500];
	_ =	sdelay $0x4  }
0xc7: {  	[tilespmem:$0x1FBC0] =	vst v23;
	v23 =	vld [tilespmem:s26+$0x4500];
	_ =	sdelay $0x4  }
0xc8: {  	[tilespmem:$0x1FBD0] =	vst v23;
	v23 =	vld [tilespmem:s26+$0x510];
	_ =	sdelay $0x4  }
0xc9: {  	[tilespmem:$0x1FBE0] =	vst v23;
	v23 =	vld [tilespmem:s26+$0x4510];
	_ =	sdelay $0x4  }
0xca: {  	[tilespmem:$0x1FBF0] =	vst v23;
	v23 =	vld [tilespmem:s26+$0x520];
	_ =	sdelay $0x1  }
0xcb: {  	v51 =	vld [tilespmem:s26+$0x4280]  }
0xcc: {  	v52 =	vld [tilespmem:s26+$0x290]  }
0xcd: {  	v33 =	vld [tilespmem:s26+$0x4290]  }
0xce: {  	[tilespmem:$0x1FC00] =	vst v23;
	v23 =	vld [tilespmem:s26+$0x4520]  }
0xcf: {  	v59 =	vld [tilespmem:s26+$0x2A0]  }
0xd0: {  	v54 =	vld [tilespmem:s26+$0x42A0]  }
0xd1: {  	v57 =	vld [tilespmem:s26+$0x2B0]  }
0xd2: {  	v34 =	vld [tilespmem:s26+$0x42B0]  }
0xd3: {  	[tilespmem:$0x1FC10] =	vst v23;
	v23 =	vld [tilespmem:s26+$0x530]  }
0xd4: {  	v60 =	vld [tilespmem:s26+$0x2C0]  }
0xd5: {  	v42 =	vld [tilespmem:s26+$0x42C0]  }
0xd6: {  	v43 =	vld [tilespmem:s26+$0x2D0]  }
0xd7: {  	v35 =	vld [tilespmem:s26+$0x42D0]  }
0xd8: {  	[tilespmem:$0x1FC20] =	vst v23;
	v23 =	vld [tilespmem:s26+$0x4530]  }
0xd9: {  	v62 =	vld [tilespmem:s26+$0x2E0]  }
0xda: {  	v44 =	vld [tilespmem:s26+$0x42E0]  }
0xdb: {  	v45 =	vld [tilespmem:s26+$0x2F0]  }
0xdc: {  	v37 =	vld [tilespmem:s26+$0x42F0]  }
0xdd: {  	[tilespmem:$0x1FC30] =	vst v23;
	v23 =	vld [tilespmem:s26+$0x540]  }
0xde: {  	v13 =	vmul.f32 v13, v27;
	v27 =	vld [tilespmem:s26+$0x4680]  }
0xdf: {  	v25 =	vmul.f32 v25, v29;
	v29 =	vld [tilespmem:s26+$0x690]  }
0xe0: {  	v4 =	vmul.f32 v4, v11;
	v11 =	vld [tilespmem:s26+$0x4690]  }
0xe1: {  	v2 =	vmul.f32 v2, v16;
	v16 =	vld [tilespmem:s26+$0x6A0]  }
0xe2: {  	v26 =	vmul.f32 v26, v30;
	[tilespmem:$0x1FC40] =	vst v23;
	v23 =	vld [tilespmem:s26+$0x4540]  }
0xe3: {  	v30 =	vmul.f32 v17, v21;
	v17 =	vmul.f32 v9, v18;
	v18 =	vld [tilespmem:s26+$0x46A0]  }
0xe4: {  	v5 =	vmul.f32 v5, v20;
	v20 =	vld [tilespmem:s26+$0x6B0]  }
0xe5: {  	v21 =	vld [tilespmem:s26+$0x46B0]  }
0xe6: {  	v6 =	vmul.f32 v6, v53;
	v53 =	vld [tilespmem:s26+$0x46E0]  }
0xe7: {  	[tilespmem:$0x1FC50] =	vst v23;
	v23 =	vld [tilespmem:s26+$0x550]  }
0xe8: {  	v31 =	vmul.f32 v31, v0;
	v8 =	vmul.f32 v8, v15;
	v15 =	vld [tilespmem:s26+$0x46F0]  }
0xe9: {  	v14 =	vmul.f32 v14, v28;
	v7 =	vmul.f32 v7, v12;
	v12 =	vld [tilespmem:s26+$0x710]  }
0xea: {  	v28 =	vadd.f32 v25, v31;
	v31 =	vmul.f32 v19, v22;
	v19 =	vmul.f32 v10, v24;
	v24 =	vld [tilespmem:s26+$0x6C0]  }
0xeb: {  	v25 =	vld [tilespmem:s26+$0x46C0]  }
0xec: {  	[tilespmem:$0x1FC60] =	vst v23;
	v23 =	vld [tilespmem:s26+$0x4550]  }
0xed: {  	v13 =	vadd.f32 v13, v26;
	v26 =	vmul.f32 v55, v58;
	v55 =	vld [tilespmem:$0x1F7B0]  }
0xee: {  	v1 =	vmul.f32 v1, v3;
	v4 =	vadd.f32 v4, v30;
	v30 =	vmul.f32 v46, v61;
	v61 =	vld [tilespmem:s26+$0x6F0]  }
0xef: {  	v8 =	vadd.f32 v8, v14;
	v14 =	vld [tilespmem:s26+$0x4700]  }
0xf0: {  	v1 =	vadd.f32 v1, v2;
	v2 =	vadd.f32 v6, v17;
	v17 =	vld [tilespmem:s26+$0x720]  }
0xf1: {  	[tilespmem:$0x1FC70] =	vst v23;
	v23 =	vld [tilespmem:s26+$0x560]  }
0xf2: {  	v3 =	vadd.f32 v13, v28;
	v28 =	vld [tilespmem:s26+$0x6D0]  }
0xf3: {  	v5 =	vadd.f32 v5, v31;
	v31 =	vmul.f32 v38, v47;
	v47 =	vmul.f32 v39, v48;
	v48 =	vld [tilespmem:s26+$0x6E0]  }
0xf4: {  	[tilespmem:$0x1FEC0] =	vst v27;
	v27 =	vmul.f32 v36, v56;
	v36 =	vld [tilespmem:s26+$0x46D0]  }
0xf5: {  	[tilespmem:$0x1FEE0] =	vst v16;
	v16 =	vld [tilespmem:s26+$0x4710]  }
0xf6: {  	[tilespmem:$0x1FC80] =	vst v23;
	v23 =	vld [tilespmem:s26+$0x4560]  }
0xf7: {  	v22 =	vadd.f32 v7, v19;
	[tilespmem:$0x1FF00] =	vst v20;
	v20 =	vld [tilespmem:s26+$0x4720]  }
0xf8: {  	v1 =	vadd.f32 v1, v8;
	[tilespmem:$0x1FF10] =	vst v21;
	v21 =	vld [tilespmem:s26+$0x730]  }
0xf9: {  	v2 =	vadd.f32 v22, v2;
	v22 =	vld [tilespmem:s26+$0x4730]  }
0xfa: {  	[tilespmem:$0x1FED0] =	vst v29;
	v29 =	vadd.f32 v1, v3;
	v3 =	vld [tilespmem:s26+$0x840]  }
0xfb: {  	[tilespmem:$0x1FC90] =	vst v23;
	v23 =	vld [tilespmem:s26+$0x570]  }
0xfc: {  	v46 =	vmul.f32 v49, v63;
	v4 =	vadd.f32 v5, v4;
	v1 =	vld [tilespmem:s26+$0x860]  }
0xfd: {  	v7 =	vadd.f32 v31, v30;
	v63 =	vmul.f32 v54, v59;
	[tilespmem:$0x1FF20] =	vst v24;
	v24 =	vmul.f32 v34, v57;
	v31 =	vld [tilespmem:$0x1F7C0]  }
0xfe: {  	[tilespmem:$0x1FF30] =	vst v25;
	v25 =	vmul.f32 v42, v60;
	v6 =	vadd.f32 v27, v26;
	v27 =	vld [tilespmem:s26+$0x700]  }
0xff: {  	v38 =	vadd.f32 v2, v4;
	v26 =	vmul.f32 v35, v43;
	v4 =	vadd.f32 v24, v63;
	v24 =	vld [tilespmem:s26+$0x4740]  }
0x100: {  	[tilespmem:$0x1FCA0] =	vst v23;
	v23 =	vld [tilespmem:s26+$0x4570]  }
0x101: {  	v49 =	vmul.f32 v40, v50;
	v50 =	vmul.f32 v32, v41;
	[tilespmem:$0x1FFA0] =	vst v29;
	v19 =	vadd.f32 v26, v25;
	v25 =	vld [tilespmem:s26+$0x750]  }
0x102: {  	v29 =	vmul.f32 v37, v45;
	[tilespmem:$0x1FF40] =	vst v28;
	v28 =	vmul.f32 v44, v62;
	v26 =	vld [tilespmem:s26+$0x4750]  }
0x103: {  	v8 =	vadd.f32 v50, v49;
	v2 =	vadd.f32 v47, v46;
	v0 =	vld [tilespmem:$0x1FF40]  }
0x104: {  	v6 =	vadd.f32 v7, v6;
	v7 =	vadd.f32 v29, v28;
	v29 =	vld [tilespmem:s26+$0x4760]  }
0x105: {  	[tilespmem:$0x1FCB0] =	vst v23;
	v23 =	vld [tilespmem:s26+$0x580]  }
0x106: {  	v2 =	vadd.f32 v8, v2;
	v12 =	vmul.f32 v16, v12;
	v16 =	vmul.f32 v20, v17;
	v20 =	vld [tilespmem:s26+$0x890]  }
0x107: {  	v32 =	vld [tilespmem:$0x1F7D0]  }
0x108: {  	v9 =	vadd.f32 v2, v6;
	v6 =	vld [tilespmem:s26+$0x740]  }
0x109: {  	[tilespmem:$0x1FF90] =	vst v27;
	v27 =	vld [tilespmem:s26+$0x760]  }
0x10a: {  	[tilespmem:$0x1FCC0] =	vst v23;
	v23 =	vld [tilespmem:s26+$0x4580]  }
0x10b: {  	v34 =	vld [tilespmem:$0x1F7E0]  }
0x10c: {  	v35 =	vld [tilespmem:$0x1F7F0]  }
0x10d: {  	v58 =	vmul.f32 v33, v52;
	v33 =	vmul.f32 v32, v31;
	v31 =	vld [tilespmem:s26+$0x770]  }
0x10e: {  	v32 =	vld [tilespmem:s26+$0x4770]  }
0x10f: {  	[tilespmem:$0x1FCD0] =	vst v23;
	v23 =	vld [tilespmem:s26+$0x590]  }
0x110: {  	v37 =	vld [tilespmem:$0x1F800]  }
0x111: {  	[tilespmem:$0x1FF50] =	vst v36;
	v36 =	vmul.f32 v35, v34;
	v34 =	vld [tilespmem:s26+$0x4780]  }
0x112: {  	v43 =	vld [tilespmem:$0x1F840]  }
0x113: {  	v44 =	vld [tilespmem:$0x1F850]  }
0x114: {  	[tilespmem:$0x1FCE0] =	vst v23;
	v23 =	vld [tilespmem:s26+$0x4590]  }
0x115: {  	v46 =	vld [tilespmem:$0x1F860]  }
0x116: {  	v47 =	vld [tilespmem:$0x1F870]  }
0x117: {  	v49 =	vld [tilespmem:$0x1F880]  }
0x118: {  	v50 =	vld [tilespmem:$0x1F890]  }
0x119: {  	[tilespmem:$0x1FCF0] =	vst v23;
	v23 =	vld [tilespmem:s26+$0x5A0]  }
0x11a: {  	v56 =	vmul.f32 v51, v55;
	v52 =	vld [tilespmem:$0x1F8A0]  }
0x11b: {  	[tilespmem:$0x1FF70] =	vst v53;
	v53 =	vld [tilespmem:$0x1F8B0]  }
0x11c: {  	v30 =	vadd.f32 v58, v56;
	v35 =	vld [tilespmem:s26+$0x790]  }
0x11d: {  	[tilespmem:$0x1FF60] =	vst v48;
	v8 =	vadd.f32 v36, v33;
	v33 =	vld [tilespmem:s26+$0x780]  }
0x11e: {  	v4 =	vadd.f32 v4, v30;
	[tilespmem:$0x1FD00] =	vst v23;
	v23 =	vld [tilespmem:s26+$0x45A0]  }
0x11f: {  	[tilespmem:$0x1FFB0] =	vst v38;
	v7 =	vadd.f32 v7, v19;
	v38 =	vld [tilespmem:$0x1F810];
	v45 =	vmul.f32 v44, v43;
	v48 =	vmul.f32 v47, v46  }
0x120: {  	v40 =	vld [tilespmem:$0x1F820];
	v51 =	vmul.f32 v50, v49;
	v54 =	vmul.f32 v53, v52  }
0x121: {  	v7 =	vadd.f32 v7, v4;
	v41 =	vld [tilespmem:$0x1F830]  }
0x122: {  	v4 =	vadd.f32 v48, v45;
	v55 =	vld [tilespmem:$0x1F8C0];
	v36 =	vadd.f32 v54, v51  }
0x123: {  	[tilespmem:$0x1FD10] =	vst v23;
	v23 =	vld [tilespmem:s26+$0x5B0]  }
0x124: {  	v4 =	vadd.f32 v36, v4;
	v36 =	vld [tilespmem:s26+$0x4790]  }
0x125: {  	v56 =	vld [tilespmem:$0x1F8D0]  }
0x126: {  	v58 =	vld [tilespmem:$0x1F8E0]  }
0x127: {  	v59 =	vld [tilespmem:$0x1F8F0]  }
0x128: {  	[tilespmem:$0x1FD20] =	vst v23;
	v23 =	vld [tilespmem:s26+$0x45B0]  }
0x129: {  	[tilespmem:$0x1FF80] =	vst v61;
	v61 =	vld [tilespmem:$0x1F900]  }
0x12a: {  	v62 =	vld [tilespmem:$0x1F910]  }
0x12b: {  	v5 =	vld [tilespmem:$0x1F920]  }
0x12c: {  	v10 =	vld [tilespmem:$0x1F930]  }
0x12d: {  	[tilespmem:$0x1FD30] =	vst v23;
	v23 =	vld [tilespmem:s26+$0x5C0]  }
0x12e: {  	v42 =	vmul.f32 v41, v40;
	v40 =	vld [tilespmem:$0x1F960]  }
0x12f: {  	v41 =	vld [tilespmem:$0x1F970]  }
0x130: {  	v39 =	vmul.f32 v38, v37;
	v37 =	vld [tilespmem:$0x1F940]  }
0x131: {  	v38 =	vld [tilespmem:$0x1F950]  }
0x132: {  	[tilespmem:$0x1FD40] =	vst v23;
	v23 =	vld [tilespmem:s26+$0x45C0]  }
0x133: {  	v43 =	vld [tilespmem:$0x1F980]  }
0x134: {  	v2 =	vadd.f32 v42, v39;
	v42 =	vmul.f32 v41, v40;
	v41 =	vld [tilespmem:s26+$0x7A0]  }
0x135: {  	v44 =	vld [tilespmem:$0x1F990]  }
0x136: {  	v39 =	vmul.f32 v38, v37;
	v40 =	vld [tilespmem:s26+$0x7C0]  }
0x137: {  	[tilespmem:$0x1FD50] =	vst v23;
	v23 =	vld [tilespmem:s26+$0x5D0]  }
0x138: {  	v50 =	vadd.f32 v42, v39;
	v42 =	vld [tilespmem:s26+$0x47C0]  }
0x139: {  	v46 =	vld [tilespmem:$0x1F9A0]  }
0x13a: {  	v45 =	vmul.f32 v44, v43;
	v43 =	vld [tilespmem:s26+$0x47A0]  }
0x13b: {  	v47 =	vld [tilespmem:$0x1F9B0]  }
0x13c: {  	[tilespmem:$0x1FD60] =	vst v23;
	v23 =	vld [tilespmem:s26+$0x45D0]  }
0x13d: {  	v52 =	vld [tilespmem:$0x1F9C0]  }
0x13e: {  	v53 =	vld [tilespmem:$0x1F9D0]  }
0x13f: {  	v57 =	vmul.f32 v56, v55;
	v55 =	vld [tilespmem:$0x1F9E0]  }
0x140: {  	v56 =	vld [tilespmem:$0x1F9F0]  }
0x141: {  	[tilespmem:$0x1FD70] =	vst v23;
	v23 =	vld [tilespmem:s26+$0x5E0]  }
0x142: {  	v60 =	vmul.f32 v59, v58;
	v58 =	vld [tilespmem:$0x1FA00]  }
0x143: {  	v59 =	vld [tilespmem:$0x1FA10]  }
0x144: {  	v63 =	vmul.f32 v62, v61;
	v61 =	vld [tilespmem:$0x1FA20]  }
0x145: {  	v62 =	vld [tilespmem:$0x1FA30]  }
0x146: {  	v48 =	vmul.f32 v47, v46;
	[tilespmem:$0x1FD80] =	vst v23;
	v23 =	vld [tilespmem:s26+$0x45E0]  }
0x147: {  	v44 =	vld [tilespmem:$0x1FA60]  }
0x148: {  	v2 =	vadd.f32 v2, v8;
	v13 =	vmul.f32 v10, v5;
	v8 =	vadd.f32 v48, v45;
	v45 =	vld [tilespmem:$0x1FA70]  }
0x149: {  	v10 =	vld [tilespmem:$0x1FA40]  }
0x14a: {  	v49 =	vadd.f32 v13, v63;
	v13 =	vld [tilespmem:$0x1FA50]  }
0x14b: {  	[tilespmem:$0x1FD90] =	vst v23;
	v23 =	vld [tilespmem:s26+$0x5F0]  }
0x14c: {  	v47 =	vld [tilespmem:$0x1FA80]  }
0x14d: {  	v19 =	vadd.f32 v60, v57;
	v46 =	vmul.f32 v45, v44;
	v45 =	vld [tilespmem:s26+$0x7B0]  }
0x14e: {  	v48 =	vld [tilespmem:$0x1FA90]  }
0x14f: {  	v19 =	vadd.f32 v49, v19;
	v51 =	vadd.f32 v8, v50;
	v50 =	vld [tilespmem:$0x1FAA0]  }
0x150: {  	[tilespmem:$0x1FDA0] =	vst v23;
	v23 =	vld [tilespmem:s26+$0x45F0]  }
0x151: {  	v19 =	vadd.f32 v51, v19;
	v54 =	vmul.f32 v53, v52;
	v57 =	vmul.f32 v56, v55;
	v51 =	vld [tilespmem:$0x1FAB0]  }
0x152: {  	v53 =	vld [tilespmem:$0x1FAC0]  }
0x153: {  	v30 =	vadd.f32 v57, v54;
	v54 =	vld [tilespmem:$0x1FAD0]  }
0x154: {  	v55 =	vld [tilespmem:$0x1FAE0]  }
0x155: {  	[tilespmem:$0x1FDB0] =	vst v23;
	v23 =	vld [tilespmem:s26+$0x600]  }
0x156: {  	v56 =	vld [tilespmem:$0x1FAF0]  }
0x157: {  	v60 =	vmul.f32 v59, v58;
	v58 =	vld [tilespmem:$0x1FB00]  }
0x158: {  	v59 =	vld [tilespmem:$0x1FB10]  }
0x159: {  	v63 =	vmul.f32 v62, v61;
	v61 =	vld [tilespmem:$0x1FB20]  }
0x15a: {  	[tilespmem:$0x1FDC0] =	vst v23;
	v23 =	vld [tilespmem:s26+$0x4600]  }
0x15b: {  	v62 =	vld [tilespmem:$0x1FB30]  }
0x15c: {  	[tilespmem:$0x1FEF0] =	vst v18;
	v18 =	vmul.f32 v13, v10;
	v10 =	vld [tilespmem:$0x1FB40]  }
0x15d: {  	v13 =	vld [tilespmem:$0x1FB50]  }
0x15e: {  	v49 =	vmul.f32 v48, v47;
	v52 =	vmul.f32 v51, v50;
	v48 =	vld [tilespmem:$0x1FB60]  }
0x15f: {  	[tilespmem:$0x1FDD0] =	vst v23;
	v23 =	vld [tilespmem:s26+$0x610]  }
0x160: {  	v38 =	vadd.f32 v52, v49;
	v49 =	vld [tilespmem:$0x1FB70]  }
0x161: {  	v51 =	vld [tilespmem:$0x1FB80]  }
0x162: {  	v52 =	vld [tilespmem:$0x1FB90]  }
0x163: {  	v8 =	vadd.f32 v4, v2;
	v4 =	vmul.f32 v54, v53;
	v54 =	vld [tilespmem:$0x1FBA0]  }
0x164: {  	v57 =	vmul.f32 v56, v55;
	[tilespmem:$0x1FDE0] =	vst v23;
	v23 =	vld [tilespmem:s26+$0x4610]  }
0x165: {  	v55 =	vld [tilespmem:$0x1FBB0]  }
0x166: {  	v4 =	vadd.f32 v57, v4;
	v57 =	vld [tilespmem:$0x1FBC0]  }
0x167: {  	v2 =	vadd.f32 v63, v60;
	v60 =	vmul.f32 v59, v58;
	v58 =	vld [tilespmem:$0x1FBD0]  }
0x168: {  	v63 =	vmul.f32 v62, v61;
	v59 =	vld [tilespmem:$0x1FBE0]  }
0x169: {  	[tilespmem:$0x1FDF0] =	vst v23;
	v23 =	vld [tilespmem:s26+$0x620]  }
0x16a: {  	v37 =	vadd.f32 v63, v60;
	v60 =	vld [tilespmem:$0x1FBF0]  }
0x16b: {  	v61 =	vld [tilespmem:$0x1FC00]  }
0x16c: {  	v62 =	vld [tilespmem:$0x1FC10]  }
0x16d: {  	v28 =	vadd.f32 v46, v18;
	v18 =	vmul.f32 v13, v10;
	v10 =	vld [tilespmem:$0x1FC20]  }
0x16e: {  	v53 =	vmul.f32 v52, v51;
	v56 =	vmul.f32 v55, v54;
	[tilespmem:$0x1FE00] =	vst v23;
	v23 =	vld [tilespmem:s26+$0x4620]  }
0x16f: {  	v13 =	vld [tilespmem:$0x1FC30]  }
0x170: {  	v2 =	vadd.f32 v2, v30;
	v30 =	vadd.f32 v56, v53;
	v53 =	vld [tilespmem:$0x1FC40]  }
0x171: {  	v50 =	vmul.f32 v49, v48;
	v54 =	vld [tilespmem:$0x1FC50]  }
0x172: {  	v55 =	vld [tilespmem:$0x1FC60]  }
0x173: {  	v39 =	vadd.f32 v50, v18;
	[tilespmem:$0x1FE10] =	vst v23;
	v23 =	vld [tilespmem:s26+$0x630]  }
0x174: {  	v28 =	vadd.f32 v38, v28;
	v38 =	vmul.f32 v58, v57;
	v58 =	vld [tilespmem:$0x1FC80]  }
0x175: {  	v30 =	vadd.f32 v30, v39;
	v39 =	vmul.f32 v60, v59;
	v59 =	vld [tilespmem:$0x1FC90]  }
0x176: {  	v60 =	vld [tilespmem:$0x1FCA0]  }
0x177: {  	v63 =	vmul.f32 v62, v61;
	v18 =	vmul.f32 v13, v10;
	v61 =	vld [tilespmem:$0x1FCB0]  }
0x178: {  	[tilespmem:$0x1FE20] =	vst v23;
	v23 =	vld [tilespmem:s26+$0x4630]  }
0x179: {  	v5 =	vadd.f32 v28, v2;
	v28 =	vadd.f32 v18, v63;
	v63 =	vld [tilespmem:$0x1FCC0]  }
0x17a: {  	v10 =	vld [tilespmem:$0x1FCD0]  }
0x17b: {  	v13 =	vld [tilespmem:$0x1FCE0]  }
0x17c: {  	v18 =	vld [tilespmem:$0x1FCF0]  }
0x17d: {  	[tilespmem:$0x1FE30] =	vst v23;
	v23 =	vld [tilespmem:s26+$0x640]  }
0x17e: {  	v51 =	vmul.f32 v59, v58;
	v58 =	vld [tilespmem:$0x1FD40]  }
0x17f: {  	v59 =	vld [tilespmem:$0x1FD50]  }
0x180: {  	v62 =	vmul.f32 v61, v60;
	v60 =	vld [tilespmem:$0x1FD60]  }
0x181: {  	v61 =	vld [tilespmem:$0x1FD70]  }
0x182: {  	[tilespmem:$0x1FE50] =	vst v23;
	v23 =	vld [tilespmem:s26+$0x4640]  }
0x183: {  	v51 =	vadd.f32 v62, v51;
	v62 =	vld [tilespmem:$0x1FD80]  }
0x184: {  	v4 =	vadd.f32 v37, v4;
	v46 =	vmul.f32 v10, v63;
	v63 =	vld [tilespmem:$0x1FD90]  }
0x185: {  	v10 =	vld [tilespmem:$0x1FDA0]  }
0x186: {  	v4 =	vadd.f32 v30, v4;
	v30 =	vmul.f32 v54, v53;
	v54 =	vmul.f32 v18, v13;
	v13 =	vld [tilespmem:$0x1FDB0]  }
0x187: {  	[tilespmem:$0x1FE40] =	vst v23;
	v23 =	vld [tilespmem:s26+$0x650]  }
0x188: {  	v56 =	vld [tilespmem:$0x1FC70]  }
0x189: {  	v44 =	vld [tilespmem:s26+$0x47D0]  }
0x18a: {  	v47 =	vld [tilespmem:s26+$0x47B0];
	v38 =	vadd.f32 v39, v38  }
0x18b: {  	v49 =	vld [tilespmem:$0x1FD00];
	v52 =	vmul.f32 v59, v58;
	v58 =	vmul.f32 v61, v60  }
0x18c: {  	v28 =	vadd.f32 v28, v38;
	v38 =	vmul.f32 v63, v62;
	v18 =	vmul.f32 v13, v10;
	[tilespmem:$0x1FE60] =	vst v23;
	v23 =	vld [tilespmem:s26+$0x4650]  }
0x18d: {  	v57 =	vmul.f32 v56, v55;
	v53 =	vld [tilespmem:$0x1FD10]  }
0x18e: {  	v56 =	vld [tilespmem:$0x1FD20];
	v52 =	vadd.f32 v58, v52;
	v38 =	vadd.f32 v18, v38  }
0x18f: {  	v30 =	vadd.f32 v57, v30;
	v57 =	vld [tilespmem:$0x1FD30]  }
0x190: {  	v38 =	vadd.f32 v38, v52;
	v52 =	vld [tilespmem:$0x1FDC0]  }
0x191: {  	[tilespmem:$0x1FE70] =	vst v23;
	v23 =	vld [tilespmem:s26+$0x660]  }
0x192: {  	v49 =	vmul.f32 v53, v49;
	v53 =	vld [tilespmem:$0x1FDD0]  }
0x193: {  	v58 =	vld [tilespmem:$0x1FDE0]  }
0x194: {  	v60 =	vld [tilespmem:$0x1FDF0]  }
0x195: {  	v62 =	vld [tilespmem:$0x1FE00]  }
0x196: {  	v56 =	vmul.f32 v57, v56;
	[tilespmem:$0x1FE80] =	vst v23;
	v23 =	vld [tilespmem:s26+$0x4660]  }
0x197: {  	v63 =	vld [tilespmem:$0x1FE10]  }
0x198: {  	v46 =	vadd.f32 v54, v46;
	v49 =	vadd.f32 v56, v49;
	v10 =	vld [tilespmem:$0x1FE20]  }
0x199: {  	v13 =	vld [tilespmem:$0x1FE30]  }
0x19a: {  	v2 =	vld [tilespmem:s26+$0x4850];
	v30 =	vadd.f32 v51, v30;
	v46 =	vadd.f32 v49, v46  }
0x19b: {  	[tilespmem:$0x1FE90] =	vst v23;
	v23 =	vld [tilespmem:s26+$0x670]  }
0x19c: {  	v28 =	vadd.f32 v30, v28;
	v30 =	vadd.f32 v38, v46;
	v46 =	vld [tilespmem:$0x1FE60]  }
0x19d: {  	v51 =	vmul.f32 v53, v52;
	v52 =	vmul.f32 v60, v58;
	v53 =	vld [tilespmem:$0x1FE70]  }
0x19e: {  	v60 =	vmul.f32 v63, v62;
	v62 =	vmul.f32 v13, v10;
	v10 =	vld [tilespmem:$0x1FE80]  }
0x19f: {  	v13 =	vld [tilespmem:$0x1FE90]  }
0x1a0: {  	[tilespmem:$0x1FEA0] =	vst v23;
	v23 =	vld [tilespmem:s26+$0x4670]  }
0x1a1: {  	v38 =	vld [tilespmem:$0x1FE50]  }
0x1a2: {  	v18 =	vld [tilespmem:$0x1FE40]  }
0x1a3: {  	v37 =	vld [tilespmem:s26+$0x7D0]  }
0x1a4: {  	v46 =	vmul.f32 v53, v46;
	v53 =	vmul.f32 v13, v10;
	v13 =	vld [tilespmem:$0x1FEC0]  }
0x1a5: {  	[tilespmem:$0x1FEB0] =	vst v23;
	v23 =	vld [tilespmem:s26+$0x680]  }
0x1a6: {  	v48 =	vld [tilespmem:s26+$0x7E0]  }
0x1a7: {  	v50 =	vld [tilespmem:s26+$0x47E0];
	v38 =	vmul.f32 v18, v38  }
0x1a8: {  	v39 =	vld [tilespmem:s26+$0x7F0]  }
0x1a9: {  	v38 =	vadd.f32 v46, v38;
	v46 =	vld [tilespmem:$0x1FEF0]  }
0x1aa: {  	v60 =	vadd.f32 v62, v60;
	v62 =	vmul.f32 v13, v23;
	v23 =	vld [tilespmem:$0x1FEE0]  }
0x1ab: {  	v18 =	vld [tilespmem:$0x1FEA0]  }
0x1ac: {  	v10 =	vld [tilespmem:$0x1FEB0]  }
0x1ad: {  	v55 =	vld [tilespmem:s26+$0x47F0]  }
0x1ae: {  	v13 =	vld [tilespmem:$0x1FF00]  }
0x1af: {  	v46 =	vmul.f32 v46, v23;
	v23 =	vld [tilespmem:$0x1FF10]  }
0x1b0: {  	v54 =	vld [tilespmem:s26+$0x4810]  }
0x1b1: {  	v57 =	vld [tilespmem:s26+$0x800];
	v10 =	vmul.f32 v10, v18  }
0x1b2: {  	v56 =	vld [tilespmem:s26+$0x820]  }
0x1b3: {  	v10 =	vadd.f32 v10, v53;
	v53 =	vld [tilespmem:$0x1FF30]  }
0x1b4: {  	v23 =	vmul.f32 v23, v13;
	v13 =	vld [tilespmem:$0x1FF20]  }
0x1b5: {  	v49 =	vld [tilespmem:s26+$0x4820]  }
0x1b6: {  	v59 =	vld [tilespmem:s26+$0x4800]  }
0x1b7: {  	v61 =	vld [tilespmem:s26+$0x810]  }
0x1b8: {  	v58 =	vld [tilespmem:s26+$0x830]  }
0x1b9: {  	v53 =	vmul.f32 v53, v13;
	v13 =	vld [tilespmem:$0x1FF50]  }
0x1ba: {  	v51 =	vadd.f32 v52, v51;
	v52 =	vld [tilespmem:s26+$0x4840]  }
0x1bb: {  	v18 =	vld [tilespmem:$0x1FED0]  }
0x1bc: {  	v63 =	vld [tilespmem:s26+$0x4830]  }
0x1bd: {  	v51 =	vadd.f32 v60, v51;
	v60 =	vld [tilespmem:$0x1FF60]  }
0x1be: {  	v0 =	vmul.f32 v13, v0;
	v13 =	vld [tilespmem:$0x1FF70]  }
0x1bf: {  	v10 =	vadd.f32 v10, v38;
	v38 =	vld [tilespmem:$0x1FF90]  }
0x1c0: {  	v11 =	vmul.f32 v11, v18;
	v18 =	vld [tilespmem:s26+$0x850]  }
0x1c1: {  	v10 =	vadd.f32 v10, v51;
	v51 =	vmul.f32 v22, v21;
	v21 =	vld [tilespmem:s26+$0x4890]  }
0x1c2: {  	v11 =	vadd.f32 v11, v62;
	v62 =	vmul.f32 v29, v27;
	v29 =	vld [tilespmem:s26+$0x8B0]  }
0x1c3: {  	v60 =	vmul.f32 v13, v60;
	v13 =	vld [tilespmem:$0x1FF80]  }
0x1c4: {  	v16 =	vadd.f32 v51, v16;
	v51 =	vmul.f32 v43, v41;
	v41 =	vld [tilespmem:s26+$0x8C0]  }
0x1c5: {  	v43 =	vld [tilespmem:s26+$0x8D0];
	v23 =	vadd.f32 v23, v46  }
0x1c6: {  	v46 =	vld [tilespmem:s26+$0x870]  }
0x1c7: {  	v11 =	vadd.f32 v23, v11;
	v23 =	vld [tilespmem:s26+$0x880]  }
0x1c8: {  	v6 =	vmul.f32 v24, v6;
	v0 =	vadd.f32 v0, v53;
	v53 =	vld [tilespmem:s26+$0x4870];
	v13 =	vmul.f32 v15, v13  }
0x1c9: {  	v17 =	vmul.f32 v34, v33;
	v3 =	vmul.f32 v52, v3;
	v15 =	vld [tilespmem:s26+$0x4860]  }
0x1ca: {  	v2 =	vmul.f32 v2, v18;
	v13 =	vadd.f32 v13, v60;
	v60 =	vmul.f32 v26, v25;
	v26 =	vld [tilespmem:s26+$0x48A0]  }
0x1cb: {  	v25 =	vmul.f32 v36, v35;
	v36 =	vmul.f32 v44, v37;
	v37 =	vld [tilespmem:s26+$0x48B0]  }
0x1cc: {  	v33 =	vsel vm0, v4, v5;
	v2 =	vadd.f32 v2, v3;
	v44 =	vld [tilespmem:s26+$0x48D0];
	v0 =	vadd.f32 v13, v0  }
0x1cd: {  	v13 =	vmul.f32 v14, v38;
	v14 =	vld [tilespmem:s26+$0x4880];
	v38 =	vmul.f32 v32, v31;
	v6 =	vadd.f32 v60, v6  }
0x1ce: {  	v60 =	vmul.f32 v47, v45;
	v17 =	vadd.f32 v25, v17;
	v47 =	vmul.f32 v54, v61;
	v54 =	vld [tilespmem:s26+$0x48E0]  }
0x1cf: {  	v45 =	vmul.f32 v59, v57;
	v25 =	vld [tilespmem:$0x1FFB0];
	v31 =	vsel vm0, v7, v9;
	v1 =	vmul.f32 v15, v1  }
0x1d0: {  	v12 =	vadd.f32 v12, v13;
	v13 =	vld [tilespmem:s26+$0x8A0];
	v22 =	vadd.f32 v38, v62;
	v62 =	vmul.f32 v42, v40  }
0x1d1: {  	v0 =	vadd.f32 v0, v11;
	v38 =	vmul.f32 v50, v48;
	v40 =	vmul.f32 v55, v39;
	v42 =	vld [tilespmem:s26+$0x48C0]  }
0x1d2: {  	v11 =	vadd.f32 v60, v51;
	v48 =	vld [tilespmem:s26+$0x8E0];
	v50 =	vmul.f32 v49, v56;
	v12 =	vadd.f32 v16, v12  }
0x1d3: {  	v51 =	vmul.f32 v63, v58;
	v55 =	vld [tilespmem:s26+$0x8F0];
	v24 =	vadd.f32 v36, v62;
	v16 =	vadd.f32 v40, v38  }
0x1d4: {  	v56 =	vmul.f32 v53, v46;
	v57 =	vadd.f32 v47, v45;
	v58 =	vld [tilespmem:s26+$0x48F0];
	v60 =	vmul.f32 v21, v20  }
0x1d5: {  	v61 =	vmul.f32 v37, v29;
	v6 =	vadd.f32 v22, v6;
	v16 =	vadd.f32 v16, v24;
	v24 =	vld [tilespmem:$0x1FFA0]  }
0x1d6: {  	v29 =	vld [tilespmem:$0x1FFC0];
	v11 =	vadd.f32 v11, v17;
	v1 =	vadd.f32 v56, v1;
	v17 =	vmul.f32 v44, v43  }
0x1d7: {  	v59 =	vmul.f32 v14, v23;
	v6 =	vadd.f32 v6, v12;
	v12 =	vadd.f32 v51, v50  }
0x1d8: {  	v1 =	vadd.f32 v1, v2;
	v13 =	vmul.f32 v26, v13;
	v62 =	vmul.f32 v42, v41  }
0x1d9: {  	v63 =	vmul.f32 v54, v48;
	v11 =	vadd.f32 v16, v11;
	v16 =	vmul.f32 v58, v55  }
0x1da: {  	v3 =	vadd.f32 v60, v59;
	v13 =	vadd.f32 v61, v13;
	v26 =	vsel vm0, v25, v24  }
0x1db: {  	v2 =	vadd.f32 v17, v62;
	v27 =	vadd.f32 v16, v63;
	(xrf1) =	vsort.ascd.msk.u32 $0xffff, v29, v26  }
0x1dc: {  	v32 =	vsel vm0, v19, v8;
	v12 =	vadd.f32 v12, v57;
	(xrf1) =	vsort.ascd.msk.u32 $0xffff, v29, v31  }
0x1dd: {  	v3 =	vadd.f32 v13, v3;
	v2 =	vadd.f32 v27, v2;
	(xrf1) =	vsort.ascd.msk.u32 $0xffff, v29, v32  }
0x1de: {  	v34 =	vsel vm0, v30, v28;
	v35 =	vsel vm0, v0, v10;
	(xrf1) =	vsort.ascd.msk.u32 $0xffff, v29, v33  }
0x1df: {  	v1 =	vadd.f32 v1, v12;
	v2 =	vadd.f32 v2, v3;
	(xrf1) =	vsort.ascd.msk.u32 $0xffff, v29, v34  }
0x1e0: {  	v36 =	vsel vm0, v11, v6;
	(xrf1) =	vsort.ascd.msk.u32 $0xffff, v29, v35  }
0x1e1: {  	v37 =	vsel vm0, v2, v1;
	(xrf1) =	vsort.ascd.msk.u32 $0xffff, v29, v36  }
0x1e2: {  	(xrf1) =	vsort.ascd.msk.u32 $0xffff, v29, v37;
	_ =	sdelay $0x6  }
0x1e3: {  	_, v38, _ =	vpop (xrf1)  }
0x1e4: {  	_, v39, _ =	vpop (xrf1)  }
0x1e5: {  	v4 =	vsel vm0, v5, v4;
	v49 =	vld [tilespmem:$0x1FFD0];
	_, v40, _ =	vpop (xrf1)  }
0x1e6: {  	v7 =	vsel vm0, v9, v7;
	v8 =	vsel vm0, v8, v19;
	v41 =	vsel vm0, v24, v25;
	_, v42, _ =	vpop (xrf1)  }
0x1e7: {  	v44 =	vsel vm0, v28, v30;
	v3 =	vadd.f32 v38, v41;
	v7 =	vadd.f32 v39, v7;
	_, v43, _ =	vpop (xrf1)  }
0x1e8: {  	v0 =	vsel vm0, v10, v0;
	v6 =	vsel vm0, v6, v11;
	v1 =	vsel vm0, v1, v2;
	_, v45, _ =	vpop (xrf1)  }
0x1e9: {  	v8 =	vadd.f32 v40, v8;
	v4 =	vadd.f32 v42, v4;
	v48 =	vsel vm1, v7, v3;
	_, v46, _ =	vpop (xrf1)  }
0x1ea: {  	v5 =	vadd.f32 v43, v44;
	(xrf1) =	vsort.ascd.msk.u32 $0xffff, v49, v48;
	v0 =	vadd.f32 v45, v0;
	_, v47, _ =	vpop (xrf1)  }
0x1eb: {  	v50 =	vsel vm1, v4, v8;
	v6 =	vadd.f32 v46, v6;
	v1 =	vadd.f32 v47, v1  }
0x1ec: {  	(xrf1) =	vsort.ascd.msk.u32 $0xffff, v49, v50;
	v51 =	vsel vm1, v0, v5  }
0x1ed: {  	(xrf1) =	vsort.ascd.msk.u32 $0xffff, v49, v51;
	v52 =	vsel vm1, v1, v6  }
0x1ee: {  	(xrf1) =	vsort.ascd.msk.u32 $0xffff, v49, v52;
	_ =	sdelay $0xa  }
0x1ef: {  	_, v53, _ =	vpop (xrf1)  }
0x1f0: {  	v59 =	vld [tilespmem:$0x1FFE0];
	_, v54, _ =	vpop (xrf1)  }
0x1f1: {  	v3 =	vsel vm1, v3, v7;
	v55 =	vsel vm1, v8, v4;
	v0 =	vsel vm1, v5, v0;
	_, v56, _ =	vpop (xrf1)  }
0x1f2: {  	v1 =	vsel vm1, v6, v1;
	v2 =	vadd.f32 v53, v3;
	v3 =	vadd.f32 v54, v55;
	_, v57, _ =	vpop (xrf1)  }
0x1f3: {  	v0 =	vadd.f32 v56, v0;
	v1 =	vadd.f32 v57, v1  }
0x1f4: {  	v58 =	vsel vm2, v3, v2  }
0x1f5: {  	(xrf1) =	vsort.ascd.msk.u32 $0xffff, v59, v58;
	v60 =	vsel vm2, v1, v0  }
0x1f6: {  	(xrf1) =	vsort.ascd.msk.u32 $0xffff, v59, v60;
	_ =	sdelay $0xc  }
0x1f7: {  	v63 =	vld [tilespmem:$0x1FFF0];
	_, v61, _ =	vpop (xrf1)  }
0x1f8: {  	v2 =	vsel vm2, v2, v3;
	v0 =	vsel vm2, v0, v1;
	_, v62, _ =	vpop (xrf1)  }
0x1f9: {  	v2 =	vadd.f32 v61, v2;
	v0 =	vadd.f32 v62, v0;
	_ =	sdelay $0x1  }
0x1fa: {  	v1 =	vsel vm3, v0, v2  }
0x1fb: {  	(xrf1) =	vsort.ascd.msk.u32 $0xffff, v63, v1;
	_ =	sdelay $0xa  }
0x1fc: {  	s28 =	sshll.u32 s23, $0x4;
	s23 =	sadd.s32 $0x1, s23  }
0x1fd: {  	p0 =	sne.s32 s23, $0x8  }
.Ltmp0:
0x1fe: {  	_ = 	snop;
	(pc) =	sbr.rel @p0 .LBB2_2-.Ltmp0, $4  }
0x1ff: {  	v0 =	vsel vm3, v2, v0;
	_, v1, _ =	vpop (xrf1)  }
0x200: {  	v0 =	vadd.f32 v1, v0  }
0x201: {  	s24 =	sand.u32 $0x3FFFFFF0, s28  }
0x202: {  	[tilespmem:s24+$0x8100] =	vst v0  }
0x203: {  	s22 =	sadd.s32 $0x1, s22  }
0x204: {  	p0 =	sne.s32 s22, s8  }
.Ltmp1:
0x205: {  	_ = 	snop;
	(pc) =	sbr.rel @p0 .LBB2_1-.Ltmp1, $4  }
0x206: {  	[hbm4b:s7+s3] =	stream.linear.scatter [tilespmem:s20], [sflag:$0xA], $0x80, $0x38;
	[tilespmem:$0x8180] =	vst v63  }
0x207: {  	_ =	swait.ge [sflag:s21], $0x80  }
0x208: {  	[sflag:s21] =	ssyncset.done $0x0  }
0x209: {  	[sflag:s21] =	ssyncadd.s32 $0xFFFFFF80  }
0x20a: {  	_ =	sfence.sel $0x180000  }
0x20b: {  	[bflag:$0x0] =	sbarrier.arrive $0xFFFF  }
0x20c: {  	_ =	strace $0x90000047  }
0x20d: {  	s0 =	stileid.u32;
	[bflag:$0x2] =	sbarrier.arrive $0xFFFF  }
0x20e: {  	p0 =	sne.s32 s0, $0x0;
	s0 =	rddreg [dreg:$0x5]  }
0x20f: {  	s0 =	sadd.s32 @!p0 $0x100000, s0  }
0x210: {  	[sflag:s0] =	ssyncadd.tile.s32 @!p0 $0x1;
	_ =	shalt  }
.Lfunc_end2:
_tile_overlayer_lowered:
.L_overlay_start_2:
0x211: {  	(tag) =	ssettag $0x2  }
0x212: {  	s0 =	rddreg [dreg:$0x0];
	s2 =	stileid.u32  }
0x213: {  	s1 =	rddreg [dreg:$0x1];
	p0 =	sne.s32 s2, $0x0  }
0x214: {  	s3 =	rddreg [dreg:$0x2];
	[bflag:$0x3] =	sbarrier.arrive $0xFFFF;
	s2 =	simm.s32 @!p0 $0x1C0A  }
0x215: {  	[timem:s3], [sflag:s2] =	dma.local @!p0 [hbm:s0], s1  }
0x216: {  	s0 =	simm.s32 @!p0 $0xA  }
0x217: {  	_ =	swait.ge @!p0 [sflag:s0], s1  }
0x218: {  	s1 =	ssub.s32 @!p0 $0x0, s1;
	[sflag:s0] =	ssyncset.done @!p0 $0x0  }
0x219: {  	[sflag:s0] =	ssyncadd.s32 @!p0 s1  }
0x21a: {  	[bflag:$0x3] =	sbarrier.arrive $0xFFFF  }
0x21b: {  	_ =	shalt  }

</sc_bundles>
